<compile_context>
chip_gen: v7x
topology: tpu7x:2x2x1
jax: 0.10.2.dev20260603
libtpu: 0.0.44.dev20260713+nightly
codegen_flags: <defaults>
</compile_context>

<pallas_src>
import functools

import jax
import jax.numpy as jnp
from jax import lax
from jax.experimental import pallas as pl
from jax.experimental.pallas import tpu as pltpu, tpu_sc as plsc

N = 10000
E = 320000
D = 128
H = 128
OUT = 8

NC = 2
NS = 16
NW = NC * NS
E_W = E // NW
K = 80
ITERS = E_W // K
BLK = 1000



def _deg_body(dst_hbm, ones_hbm, zero_hbm, out_hbm, idx_v, ones_v, acc, sem):
    cid = lax.axis_index("c")
    sid = lax.axis_index("s")
    wid = sid * NC + cid

    @pl.when(sid == 0)
    def _():
        pltpu.sync_copy(zero_hbm, acc)

    plsc.subcore_barrier()
    pltpu.sync_copy(ones_hbm, ones_v)
    base = wid * E_W

    def body(i, carry):
        off = base + i * K
        pltpu.sync_copy(dst_hbm.at[pl.ds(off, K)], idx_v)
        pltpu.sync_copy(ones_v, acc.at[idx_v], add=True)
        return carry

    lax.fori_loop(0, ITERS, body, 0)
    plsc.subcore_barrier()

    @pl.when(sid == 0)
    def _():
        pltpu.sync_copy(acc, out_hbm.at[cid])


def _degree_partials(dst):
    mesh = plsc.VectorSubcoreMesh(core_axis_name="c", subcore_axis_name="s")
    ones = jnp.ones((K, H), jnp.float32)
    zero = jnp.zeros((N, H), jnp.float32)
    f = pl.kernel(
        _deg_body,
        out_type=jax.ShapeDtypeStruct((NC, N, H), jnp.float32),
        mesh=mesh,
        scratch_types=[
            pltpu.VMEM((K,), jnp.int32),
            pltpu.VMEM((K, H), jnp.float32),
            pltpu.VMEM_SHARED((N, H), jnp.float32),
            pltpu.SemaphoreType.DMA,
        ],
    )
    return f(dst, ones, zero)


def _agg_body(gp_hbm, src_hbm, dst_hbm, zero_hbm, out_hbm,
              idx_s, idx_d, rows, acc, sem):
    cid = lax.axis_index("c")
    sid = lax.axis_index("s")
    wid = sid * NC + cid

    @pl.when(sid == 0)
    def _():
        pltpu.sync_copy(zero_hbm, acc)

    plsc.subcore_barrier()
    base = wid * E_W

    def body(i, carry):
        off = base + i * K
        pltpu.sync_copy(src_hbm.at[pl.ds(off, K)], idx_s)
        pltpu.sync_copy(dst_hbm.at[pl.ds(off, K)], idx_d)
        pltpu.async_copy(gp_hbm.at[idx_s], rows, sem).wait()
        pltpu.sync_copy(rows, acc.at[idx_d], add=True)
        return carry

    lax.fori_loop(0, ITERS, body, 0)
    plsc.subcore_barrier()

    @pl.when(sid == 0)
    def _():
        pltpu.sync_copy(acc, out_hbm.at[cid])


def _edge_aggregate(gp, src, dst):
    mesh = plsc.VectorSubcoreMesh(core_axis_name="c", subcore_axis_name="s")
    zero = jnp.zeros((N, H), jnp.float32)
    f = pl.kernel(
        _agg_body,
        out_type=jax.ShapeDtypeStruct((NC, N, H), jnp.float32),
        mesh=mesh,
        scratch_types=[
            pltpu.VMEM((K,), jnp.int32),
            pltpu.VMEM((K,), jnp.int32),
            pltpu.VMEM((K, H), jnp.float32),
            pltpu.VMEM_SHARED((N, H), jnp.float32),
            pltpu.SemaphoreType.DMA,
        ],
    )
    return f(gp, src, dst, zero)



def _mm_body(x_ref, w_ref, o_ref):
    o_ref[...] = jnp.dot(x_ref[...], w_ref[...],
                         preferred_element_type=jnp.float32)


def _matmul(x, w):
    m, k = x.shape
    _, n = w.shape
    return pl.pallas_call(
        _mm_body,
        grid=(m // BLK,),
        in_specs=[
            pl.BlockSpec((BLK, k), lambda i: (i, 0)),
            pl.BlockSpec((k, n), lambda i: (0, 0)),
        ],
        out_specs=pl.BlockSpec((BLK, n), lambda i: (i, 0)),
        out_shape=jax.ShapeDtypeStruct((m, n), jnp.float32),
    )(x, w)


def _dinv_scale_body(p0_ref, p1_ref, m_ref, dinv_ref, g_ref):
    deg = p0_ref[:, 0:1] + p1_ref[:, 0:1] + 1.0
    dinv = lax.rsqrt(deg)
    dinv_b = jnp.broadcast_to(dinv, m_ref.shape)
    dinv_ref[...] = dinv_b
    g_ref[...] = dinv_b * m_ref[...]


def _dinv_and_scale(degp, m1):
    return pl.pallas_call(
        _dinv_scale_body,
        grid=(N // BLK,),
        in_specs=[
            pl.BlockSpec((BLK, H), lambda i: (i, 0)),
            pl.BlockSpec((BLK, H), lambda i: (i, 0)),
            pl.BlockSpec((BLK, H), lambda i: (i, 0)),
        ],
        out_specs=[
            pl.BlockSpec((BLK, H), lambda i: (i, 0)),
            pl.BlockSpec((BLK, H), lambda i: (i, 0)),
        ],
        out_shape=[
            jax.ShapeDtypeStruct((N, H), jnp.float32),
            jax.ShapeDtypeStruct((N, H), jnp.float32),
        ],
    )(degp[0], degp[1], m1)


def _layer_body(g_ref, p0_ref, p1_ref, dinv_ref, b_ref, w_ref, o_ref):
    dinv = dinv_ref[...]
    h = jnp.maximum(dinv * (g_ref[...] + p0_ref[...] + p1_ref[...])
                    + b_ref[...], 0.0)
    o_ref[...] = dinv * jnp.dot(h, w_ref[...],
                                preferred_element_type=jnp.float32)


def _layer(gp, parts, dinv, b, w):
    return pl.pallas_call(
        _layer_body,
        grid=(N // BLK,),
        in_specs=[
            pl.BlockSpec((BLK, H), lambda i: (i, 0)),
            pl.BlockSpec((BLK, H), lambda i: (i, 0)),
            pl.BlockSpec((BLK, H), lambda i: (i, 0)),
            pl.BlockSpec((BLK, H), lambda i: (i, 0)),
            pl.BlockSpec((1, H), lambda i: (0, 0)),
            pl.BlockSpec((H, H), lambda i: (0, 0)),
        ],
        out_specs=pl.BlockSpec((BLK, H), lambda i: (i, 0)),
        out_shape=jax.ShapeDtypeStruct((N, H), jnp.float32),
    )(gp, parts[0], parts[1], dinv, b.reshape(1, H), w)


def _heads_body(g_ref, p0_ref, p1_ref, dinv_ref, b_ref,
                a1w_ref, a1b_ref, a2w_ref, a2b_ref, a3w_ref, a3b_ref,
                c1w_ref, c1b_ref, c2w_ref, c2b_ref, c3w_ref, c3b_ref,
                probs_ref, vals_ref):
    dinv = dinv_ref[...]
    h = jnp.maximum(dinv * (g_ref[...] + p0_ref[...] + p1_ref[...])
                    + b_ref[...], 0.0)
    a = jnp.maximum(jnp.dot(h, a1w_ref[...],
                            preferred_element_type=jnp.float32)
                    + a1b_ref[...], 0.0)
    a = jnp.maximum(jnp.dot(a, a2w_ref[...],
                            preferred_element_type=jnp.float32)
                    + a2b_ref[...], 0.0)
    logits = jnp.dot(a, a3w_ref[...],
                     preferred_element_type=jnp.float32) + a3b_ref[...]
    m = jnp.max(logits, axis=-1, keepdims=True)
    e = jnp.exp(logits - m)
    probs_ref[...] = e / jnp.sum(e, axis=-1, keepdims=True)
    c = jnp.maximum(jnp.dot(h, c1w_ref[...],
                            preferred_element_type=jnp.float32)
                    + c1b_ref[...], 0.0)
    c = jnp.maximum(jnp.dot(c, c2w_ref[...],
                            preferred_element_type=jnp.float32)
                    + c2b_ref[...], 0.0)
    vals_ref[...] = jnp.dot(c, c3w_ref[...],
                            preferred_element_type=jnp.float32) + c3b_ref[...]


def _heads(gp, parts, dinv, b3, A1w, A1b, A2w, A2b, A3w, A3b,
           C1w, C1b, C2w, C2b, C3w, C3b):
    full = lambda r, c: pl.BlockSpec((r, c), lambda i: (0, 0))
    row = lambda c: pl.BlockSpec((BLK, c), lambda i: (i, 0))
    return pl.pallas_call(
        _heads_body,
        grid=(N // BLK,),
        in_specs=[
            row(H), row(H), row(H), row(H), full(1, H),
            full(H, 2 * H), full(1, 2 * H),
            full(2 * H, H), full(1, H),
            full(H, OUT), full(1, OUT),
            full(H, 2 * H), full(1, 2 * H),
            full(2 * H, H), full(1, H),
            full(H, 1), full(1, 1),
        ],
        out_specs=[row(OUT), row(1)],
        out_shape=[
            jax.ShapeDtypeStruct((N, OUT), jnp.float32),
            jax.ShapeDtypeStruct((N, 1), jnp.float32),
        ],
    )(gp, parts[0], parts[1], dinv, b3.reshape(1, H),
      A1w, A1b.reshape(1, 2 * H), A2w, A2b.reshape(1, H),
      A3w, A3b.reshape(1, OUT),
      C1w, C1b.reshape(1, 2 * H), C2w, C2b.reshape(1, H),
      C3w, C3b.reshape(1, 1))



def kernel(x, edge_index, W1, b1, W2, b2, W3, b3,
           A1w, A1b, A2w, A2b, A3w, A3b,
           C1w, C1b, C2w, C2b, C3w, C3b):
    src = edge_index[0]
    dst = edge_index[1]

    m1 = _matmul(x, W1)
    degp = _degree_partials(dst)
    dinv, g1 = _dinv_and_scale(degp, m1)

    p1 = _edge_aggregate(g1, src, dst)
    g2 = _layer(g1, p1, dinv, b1, W2)
    p2 = _edge_aggregate(g2, src, dst)
    g3 = _layer(g2, p2, dinv, b2, W3)
    p3 = _edge_aggregate(g3, src, dst)

    probs, vals = _heads(g3, p3, dinv, b3, A1w, A1b, A2w, A2b, A3w, A3b,
                         C1w, C1b, C2w, C2b, C3w, C3b)
    return (probs, vals)

# --- scband reference (transcript-rebuilt; emitter-appended) ---
"""Pipeline reference for scband-gnnppopolicy-3770981286028 (READ-ONLY COPY).

The authoritative reference and input builder live on the scoring server;
editing this copy changes nothing except your own understanding.
"""

import jax, jax.numpy as jnp
import numpy as np

N = 10000
E = 320000
D = 128
H = 128
OUT = 8


def setup_inputs(seed: int = 0) -> dict:
    key = jax.random.key(seed)
    ks = jax.random.split(key, 24)
    x = jax.random.normal(ks[0], (N, D), dtype=jnp.float32)
    edge_index = jax.random.randint(ks[1], (2, E), 0, N, dtype=jnp.int32)
    s = 0.05
    inp = {
        'x': x,
        'edge_index': edge_index,
        'W1': jax.random.normal(ks[2], (D, H), dtype=jnp.float32) * s,
        'b1': jnp.zeros((H,), dtype=jnp.float32),
        'W2': jax.random.normal(ks[3], (H, H), dtype=jnp.float32) * s,
        'b2': jnp.zeros((H,), dtype=jnp.float32),
        'W3': jax.random.normal(ks[4], (H, H), dtype=jnp.float32) * s,
        'b3': jnp.zeros((H,), dtype=jnp.float32),
        'A1w': jax.random.normal(ks[5], (H, 2 * H), dtype=jnp.float32) * s,
        'A1b': jnp.zeros((2 * H,), dtype=jnp.float32),
        'A2w': jax.random.normal(ks[6], (2 * H, H), dtype=jnp.float32) * s,
        'A2b': jnp.zeros((H,), dtype=jnp.float32),
        'A3w': jax.random.normal(ks[7], (H, OUT), dtype=jnp.float32) * s,
        'A3b': jnp.zeros((OUT,), dtype=jnp.float32),
        'C1w': jax.random.normal(ks[8], (H, 2 * H), dtype=jnp.float32) * s,
        'C1b': jnp.zeros((2 * H,), dtype=jnp.float32),
        'C2w': jax.random.normal(ks[9], (2 * H, H), dtype=jnp.float32) * s,
        'C2b': jnp.zeros((H,), dtype=jnp.float32),
        'C3w': jax.random.normal(ks[10], (H, 1), dtype=jnp.float32) * s,
        'C3b': jnp.zeros((1,), dtype=jnp.float32),
    }
    return inp


def _gcn_norm(edge_index, n):
    src = edge_index[0]
    dst = edge_index[1]
    loop = jnp.arange(n, dtype=src.dtype)
    src = jnp.concatenate([src, loop])
    dst = jnp.concatenate([dst, loop])
    deg = jax.ops.segment_sum(jnp.ones_like(src, dtype=jnp.float32), dst, num_segments=n)
    dinv = jnp.where(deg > 0, jax.lax.rsqrt(jnp.maximum(deg, 1e-12)), 0.0)
    norm = dinv[src] * dinv[dst]
    return src, dst, norm


def _gcn_conv(h, src, dst, norm, W, b, n):
    h = h @ W
    msg = jnp.take(h, src, axis=0) * norm[:, None]
    out = jax.ops.segment_sum(msg, dst, num_segments=n)
    return out + b


def reference(x, edge_index, W1, b1, W2, b2, W3, b3, A1w, A1b, A2w, A2b, A3w, A3b, C1w, C1b, C2w, C2b, C3w, C3b):
    n = x.shape[0]
    src, dst, norm = _gcn_norm(edge_index, n)
    h = jax.nn.relu(_gcn_conv(x, src, dst, norm, W1, b1, n))
    h = jax.nn.relu(_gcn_conv(h, src, dst, norm, W2, b2, n))
    h = jax.nn.relu(_gcn_conv(h, src, dst, norm, W3, b3, n))
    a = jax.nn.relu(h @ A1w + A1b)
    a = jax.nn.relu(a @ A2w + A2b)
    action_probs = jax.nn.softmax(a @ A3w + A3b, axis=-1)
    c = jax.nn.relu(h @ C1w + C1b)
    c = jax.nn.relu(c @ C2w + C2b)
    values = c @ C3w + C3b
    return (action_probs, values)

if __name__ == "__main__":
    import jax
    _d = setup_inputs()
    print(jax.jit(kernel)(*tuple(_d.values())))

</pallas_src>

<mosaic_0001>
#map = affine_map<(d0, d1) -> (0)>
#map1 = affine_map<(d0, d1) -> (0, 0)>
#map2 = affine_map<(d0, d1) -> (0, 0, 0)>
module attributes {stable_mosaic.version = 14 : i64} {
  func.func @_deg_body(%arg0: i32, %arg1: i32, %arg2: memref<320000xi32, #tpu.memory_space<hbm>>, %arg3: memref<80x128xf32, #tpu.memory_space<hbm>>, %arg4: memref<10000x128xf32, #tpu.memory_space<hbm>>, %arg5: memref<2x10000x128xf32, #tpu.memory_space<hbm>>, %arg6: memref<80xi32, #tpu.memory_space<vmem>>, %arg7: memref<80x128xf32, #tpu.memory_space<vmem>>, %arg8: memref<10000x128xf32, #tpu.memory_space<vmem_shared>>, %arg9: memref<!tpu.dma_semaphore, #tpu.memory_space<semaphore_mem>>) attributes {dimension_semantics = [#tpu.dimension_semantics<core_parallel>, #tpu.dimension_semantics<subcore_parallel>], iteration_bounds = array<i64: 2, 16>, scalar_prefetch = 0 : i64, scratch_operands = 4 : i64, tpu.core_type = #tpu.core_type<sc_vector_subcore>, window_params = [{transform_indices = #map}, {transform_indices = #map1}, {transform_indices = #map1}, {transform_indices = #map2}]} {
    %mul3A = arith.constant 2 : i32
    %mul3A_0 = arith.muli %arg1, %mul3A : i32
    %add3A = arith.addi %mul3A_0, %arg0 : i32
    %eq3A = arith.constant 0 : i32
    %eq3A_1 = arith.cmpi eq, %arg1, %eq3A : i32
    %convert_element_type3A = arith.extui %eq3A_1 : i1 to i32
    %cond3A = arith.constant 0 : i32
    %cond3A_2 = arith.cmpi ne, %convert_element_type3A, %cond3A : i32
    scf.if %cond3A_2 {
      "tpu.region"() ({
        %run_scoped3A = tpu.sem_alloc : memref<!tpu.dma_semaphore, #tpu.memory_space<semaphore_mem>>
        tpu.enqueue_dma source(%arg4 : memref<10000x128xf32, #tpu.memory_space<hbm>>) target(%arg8 : memref<10000x128xf32, #tpu.memory_space<vmem_shared>>) target_semaphore(%run_scoped3A : memref<!tpu.dma_semaphore, #tpu.memory_space<semaphore_mem>>)
        tpu.wait_dma2 semaphore(%run_scoped3A : memref<!tpu.dma_semaphore, #tpu.memory_space<semaphore_mem>>) src(%arg4 : memref<10000x128xf32, #tpu.memory_space<hbm>>) dst(%arg8 : memref<10000x128xf32, #tpu.memory_space<vmem_shared>>)
        tpu.yield
      }) : () -> ()
    } else {
    }
    %barrier3A = arith.constant 0 : index
    tpu.barrier barrier_id(%barrier3A)
    "tpu.region"() ({
      %run_scoped3A = tpu.sem_alloc : memref<!tpu.dma_semaphore, #tpu.memory_space<semaphore_mem>>
      tpu.enqueue_dma source(%arg3 : memref<80x128xf32, #tpu.memory_space<hbm>>) target(%arg7 : memref<80x128xf32, #tpu.memory_space<vmem>>) target_semaphore(%run_scoped3A : memref<!tpu.dma_semaphore, #tpu.memory_space<semaphore_mem>>)
      tpu.wait_dma2 semaphore(%run_scoped3A : memref<!tpu.dma_semaphore, #tpu.memory_space<semaphore_mem>>) src(%arg3 : memref<80x128xf32, #tpu.memory_space<hbm>>) dst(%arg7 : memref<80x128xf32, #tpu.memory_space<vmem>>)
      tpu.yield
    }) : () -> ()
    %mul3A_3 = arith.constant 10000 : i32
    %mul3A_4 = arith.muli %add3A, %mul3A_3 : i32
    %scan3A = arith.constant 0 : i32
    %scan3A_5 = arith.constant 0 : i32
    %scan3A_6 = arith.constant 125 : i32
    %scan3A_7 = arith.addi %scan3A_5, %scan3A_6 : i32
    %scan3A_8 = arith.constant 1 : i32
    scf.for %scan3A_16 = %scan3A_5 to %scan3A_7 step %scan3A_8  : i32 {
      %mul3A_17 = arith.constant 80 : i32
      %mul3A_18 = arith.muli %scan3A_16, %mul3A_17 : i32
      %add3A_19 = arith.addi %mul3A_4, %mul3A_18 : i32
      "tpu.region"() ({
        %run_scoped3A = tpu.sem_alloc : memref<!tpu.dma_semaphore, #tpu.memory_space<semaphore_mem>>
        %dma_start3A = tpu.memref_slice %arg2[%add3A_19] : memref<320000xi32, #tpu.memory_space<hbm>> -> memref<80xi32, #tpu.memory_space<hbm>>
        %dma_start3A_20 = tpu.memref_slice %arg2[%add3A_19] : memref<320000xi32, #tpu.memory_space<hbm>> -> memref<80xi32, #tpu.memory_space<hbm>>
        tpu.enqueue_dma source(%dma_start3A_20 : memref<80xi32, #tpu.memory_space<hbm>>) target(%arg6 : memref<80xi32, #tpu.memory_space<vmem>>) target_semaphore(%run_scoped3A : memref<!tpu.dma_semaphore, #tpu.memory_space<semaphore_mem>>)
        %dma_wait3A = tpu.memref_slice %arg2[%add3A_19] : memref<320000xi32, #tpu.memory_space<hbm>> -> memref<80xi32, #tpu.memory_space<hbm>>
        %dma_wait3A_21 = tpu.memref_slice %arg2[%add3A_19] : memref<320000xi32, #tpu.memory_space<hbm>> -> memref<80xi32, #tpu.memory_space<hbm>>
        tpu.wait_dma2 semaphore(%run_scoped3A : memref<!tpu.dma_semaphore, #tpu.memory_space<semaphore_mem>>) src(%dma_wait3A_21 : memref<80xi32, #tpu.memory_space<hbm>>) dst(%arg6 : memref<80xi32, #tpu.memory_space<vmem>>)
        tpu.yield
      }) : () -> ()
      "tpu.region"() ({
        %run_scoped3A = tpu.sem_alloc : memref<!tpu.dma_semaphore, #tpu.memory_space<semaphore_mem>>
        %dma_start3A = arith.constant 0 : i32
        %dma_start3A_20 = arith.constant 0 : i32
        %dma_start3A_21 = tpu.memref_slice %arg8[%dma_start3A, %dma_start3A_20] : memref<10000x128xf32, #tpu.memory_space<vmem_shared>> -> memref<10000x128xf32, #tpu.memory_space<vmem_shared>>
        tpu.enqueue_indirect_dma source(%arg7 : memref<80x128xf32, #tpu.memory_space<vmem>>) target(%dma_start3A_21 : memref<10000x128xf32, #tpu.memory_space<vmem_shared>>) offsets(%arg6 : memref<80xi32, #tpu.memory_space<vmem>>) semaphore(%run_scoped3A : memref<!tpu.dma_semaphore, #tpu.memory_space<semaphore_mem>>) {add = true}
        %dma_wait3A = arith.constant 0 : i32
        %dma_wait3A_22 = arith.constant 0 : i32
        %dma_wait3A_23 = tpu.memref_slice %arg8[%dma_wait3A, %dma_wait3A_22] : memref<10000x128xf32, #tpu.memory_space<vmem_shared>> -> memref<10000x128xf32, #tpu.memory_space<vmem_shared>>
        tpu.wait_indirect_dma semaphore(%run_scoped3A : memref<!tpu.dma_semaphore, #tpu.memory_space<semaphore_mem>>) src(%arg7 : memref<80x128xf32, #tpu.memory_space<vmem>>) dst(%dma_wait3A_23 : memref<10000x128xf32, #tpu.memory_space<vmem_shared>>)
        tpu.yield
      }) : () -> ()
    }
    %scan3A_9 = arith.constant 125 : i32
    %barrier3A_10 = arith.constant 0 : index
    tpu.barrier barrier_id(%barrier3A_10)
    %eq3A_11 = arith.constant 0 : i32
    %eq3A_12 = arith.cmpi eq, %arg1, %eq3A_11 : i32
    %convert_element_type3A_13 = arith.extui %eq3A_12 : i1 to i32
    %cond3A_14 = arith.constant 0 : i32
    %cond3A_15 = arith.cmpi ne, %convert_element_type3A_13, %cond3A_14 : i32
    scf.if %cond3A_15 {
      "tpu.region"() ({
        %run_scoped3A = tpu.sem_alloc : memref<!tpu.dma_semaphore, #tpu.memory_space<semaphore_mem>>
        %dma_start3A = arith.constant 0 : i32
        %dma_start3A_16 = arith.constant 0 : i32
        %dma_start3A_17 = tpu.memref_slice %arg5[%arg0, %dma_start3A, %dma_start3A_16] : memref<2x10000x128xf32, #tpu.memory_space<hbm>> -> memref<1x10000x128xf32, #tpu.memory_space<hbm>>
        %dma_start3A_18 = tpu.memref_squeeze %dma_start3A_17 : memref<1x10000x128xf32, #tpu.memory_space<hbm>> -> memref<10000x128xf32, #tpu.memory_space<hbm>>
        tpu.enqueue_dma source(%arg8 : memref<10000x128xf32, #tpu.memory_space<vmem_shared>>) target(%dma_start3A_18 : memref<10000x128xf32, #tpu.memory_space<hbm>>) target_semaphore(%run_scoped3A : memref<!tpu.dma_semaphore, #tpu.memory_space<semaphore_mem>>)
        %dma_wait3A = arith.constant 0 : i32
        %dma_wait3A_19 = arith.constant 0 : i32
        %dma_wait3A_20 = tpu.memref_slice %arg5[%arg0, %dma_wait3A, %dma_wait3A_19] : memref<2x10000x128xf32, #tpu.memory_space<hbm>> -> memref<1x10000x128xf32, #tpu.memory_space<hbm>>
        %dma_wait3A_21 = tpu.memref_squeeze %dma_wait3A_20 : memref<1x10000x128xf32, #tpu.memory_space<hbm>> -> memref<10000x128xf32, #tpu.memory_space<hbm>>
        tpu.wait_dma2 semaphore(%run_scoped3A : memref<!tpu.dma_semaphore, #tpu.memory_space<semaphore_mem>>) src(%arg8 : memref<10000x128xf32, #tpu.memory_space<vmem_shared>>) dst(%dma_wait3A_21 : memref<10000x128xf32, #tpu.memory_space<hbm>>)
        tpu.yield
      }) : () -> ()
    } else {
    }
    return
  }
}

#map = affine_map<(d0, d1) -> (0, 0)>
#map1 = affine_map<(d0, d1) -> (0)>
#map2 = affine_map<(d0, d1) -> (0, 0, 0)>
module attributes {stable_mosaic.version = 14 : i64} {
  func.func @_agg_body(%arg0: i32, %arg1: i32, %arg2: memref<10000x128xf32, #tpu.memory_space<hbm>>, %arg3: memref<320000xi32, #tpu.memory_space<hbm>>, %arg4: memref<320000xi32, #tpu.memory_space<hbm>>, %arg5: memref<10000x128xf32, #tpu.memory_space<hbm>>, %arg6: memref<2x10000x128xf32, #tpu.memory_space<hbm>>, %arg7: memref<80xi32, #tpu.memory_space<vmem>>, %arg8: memref<80xi32, #tpu.memory_space<vmem>>, %arg9: memref<80x128xf32, #tpu.memory_space<vmem>>, %arg10: memref<10000x128xf32, #tpu.memory_space<vmem_shared>>, %arg11: memref<!tpu.dma_semaphore, #tpu.memory_space<semaphore_mem>>) attributes {dimension_semantics = [#tpu.dimension_semantics<core_parallel>, #tpu.dimension_semantics<subcore_parallel>], iteration_bounds = array<i64: 2, 16>, scalar_prefetch = 0 : i64, scratch_operands = 5 : i64, tpu.core_type = #tpu.core_type<sc_vector_subcore>, window_params = [{transform_indices = #map}, {transform_indices = #map1}, {transform_indices = #map1}, {transform_indices = #map}, {transform_indices = #map2}]} {
    %mul3A = arith.constant 2 : i32
    %mul3A_0 = arith.muli %arg1, %mul3A : i32
    %add3A = arith.addi %mul3A_0, %arg0 : i32
    %eq3A = arith.constant 0 : i32
    %eq3A_1 = arith.cmpi eq, %arg1, %eq3A : i32
    %convert_element_type3A = arith.extui %eq3A_1 : i1 to i32
    %cond3A = arith.constant 0 : i32
    %cond3A_2 = arith.cmpi ne, %convert_element_type3A, %cond3A : i32
    scf.if %cond3A_2 {
      "tpu.region"() ({
        %run_scoped3A = tpu.sem_alloc : memref<!tpu.dma_semaphore, #tpu.memory_space<semaphore_mem>>
        tpu.enqueue_dma source(%arg5 : memref<10000x128xf32, #tpu.memory_space<hbm>>) target(%arg10 : memref<10000x128xf32, #tpu.memory_space<vmem_shared>>) target_semaphore(%run_scoped3A : memref<!tpu.dma_semaphore, #tpu.memory_space<semaphore_mem>>)
        tpu.wait_dma2 semaphore(%run_scoped3A : memref<!tpu.dma_semaphore, #tpu.memory_space<semaphore_mem>>) src(%arg5 : memref<10000x128xf32, #tpu.memory_space<hbm>>) dst(%arg10 : memref<10000x128xf32, #tpu.memory_space<vmem_shared>>)
        tpu.yield
      }) : () -> ()
    } else {
    }
    %barrier3A = arith.constant 0 : index
    tpu.barrier barrier_id(%barrier3A)
    %mul3A_3 = arith.constant 10000 : i32
    %mul3A_4 = arith.muli %add3A, %mul3A_3 : i32
    %scan3A = arith.constant 0 : i32
    %scan3A_5 = arith.constant 0 : i32
    %scan3A_6 = arith.constant 125 : i32
    %scan3A_7 = arith.addi %scan3A_5, %scan3A_6 : i32
    %scan3A_8 = arith.constant 1 : i32
    scf.for %scan3A_16 = %scan3A_5 to %scan3A_7 step %scan3A_8  : i32 {
      %mul3A_17 = arith.constant 80 : i32
      %mul3A_18 = arith.muli %scan3A_16, %mul3A_17 : i32
      %add3A_19 = arith.addi %mul3A_4, %mul3A_18 : i32
      "tpu.region"() ({
        %run_scoped3A = tpu.sem_alloc : memref<!tpu.dma_semaphore, #tpu.memory_space<semaphore_mem>>
        %dma_start3A_24 = tpu.memref_slice %arg3[%add3A_19] : memref<320000xi32, #tpu.memory_space<hbm>> -> memref<80xi32, #tpu.memory_space<hbm>>
        %dma_start3A_25 = tpu.memref_slice %arg3[%add3A_19] : memref<320000xi32, #tpu.memory_space<hbm>> -> memref<80xi32, #tpu.memory_space<hbm>>
        tpu.enqueue_dma source(%dma_start3A_25 : memref<80xi32, #tpu.memory_space<hbm>>) target(%arg7 : memref<80xi32, #tpu.memory_space<vmem>>) target_semaphore(%run_scoped3A : memref<!tpu.dma_semaphore, #tpu.memory_space<semaphore_mem>>)
        %dma_wait3A_26 = tpu.memref_slice %arg3[%add3A_19] : memref<320000xi32, #tpu.memory_space<hbm>> -> memref<80xi32, #tpu.memory_space<hbm>>
        %dma_wait3A_27 = tpu.memref_slice %arg3[%add3A_19] : memref<320000xi32, #tpu.memory_space<hbm>> -> memref<80xi32, #tpu.memory_space<hbm>>
        tpu.wait_dma2 semaphore(%run_scoped3A : memref<!tpu.dma_semaphore, #tpu.memory_space<semaphore_mem>>) src(%dma_wait3A_27 : memref<80xi32, #tpu.memory_space<hbm>>) dst(%arg7 : memref<80xi32, #tpu.memory_space<vmem>>)
        tpu.yield
      }) : () -> ()
      "tpu.region"() ({
        %run_scoped3A = tpu.sem_alloc : memref<!tpu.dma_semaphore, #tpu.memory_space<semaphore_mem>>
        %dma_start3A_24 = tpu.memref_slice %arg4[%add3A_19] : memref<320000xi32, #tpu.memory_space<hbm>> -> memref<80xi32, #tpu.memory_space<hbm>>
        %dma_start3A_25 = tpu.memref_slice %arg4[%add3A_19] : memref<320000xi32, #tpu.memory_space<hbm>> -> memref<80xi32, #tpu.memory_space<hbm>>
        tpu.enqueue_dma source(%dma_start3A_25 : memref<80xi32, #tpu.memory_space<hbm>>) target(%arg8 : memref<80xi32, #tpu.memory_space<vmem>>) target_semaphore(%run_scoped3A : memref<!tpu.dma_semaphore, #tpu.memory_space<semaphore_mem>>)
        %dma_wait3A_26 = tpu.memref_slice %arg4[%add3A_19] : memref<320000xi32, #tpu.memory_space<hbm>> -> memref<80xi32, #tpu.memory_space<hbm>>
        %dma_wait3A_27 = tpu.memref_slice %arg4[%add3A_19] : memref<320000xi32, #tpu.memory_space<hbm>> -> memref<80xi32, #tpu.memory_space<hbm>>
        tpu.wait_dma2 semaphore(%run_scoped3A : memref<!tpu.dma_semaphore, #tpu.memory_space<semaphore_mem>>) src(%dma_wait3A_27 : memref<80xi32, #tpu.memory_space<hbm>>) dst(%arg8 : memref<80xi32, #tpu.memory_space<vmem>>)
        tpu.yield
      }) : () -> ()
      %dma_start3A = arith.constant 0 : i32
      %dma_start3A_20 = arith.constant 0 : i32
      %dma_start3A_21 = tpu.memref_slice %arg2[%dma_start3A, %dma_start3A_20] : memref<10000x128xf32, #tpu.memory_space<hbm>> -> memref<10000x128xf32, #tpu.memory_space<hbm>>
      tpu.enqueue_indirect_dma source(%dma_start3A_21 : memref<10000x128xf32, #tpu.memory_space<hbm>>) target(%arg9 : memref<80x128xf32, #tpu.memory_space<vmem>>) offsets(%arg7 : memref<80xi32, #tpu.memory_space<vmem>>) semaphore(%arg11 : memref<!tpu.dma_semaphore, #tpu.memory_space<semaphore_mem>>)
      %dma_wait3A = arith.constant 0 : i32
      %dma_wait3A_22 = arith.constant 0 : i32
      %dma_wait3A_23 = tpu.memref_slice %arg2[%dma_wait3A, %dma_wait3A_22] : memref<10000x128xf32, #tpu.memory_space<hbm>> -> memref<10000x128xf32, #tpu.memory_space<hbm>>
      tpu.wait_indirect_dma semaphore(%arg11 : memref<!tpu.dma_semaphore, #tpu.memory_space<semaphore_mem>>) src(%dma_wait3A_23 : memref<10000x128xf32, #tpu.memory_space<hbm>>) dst(%arg9 : memref<80x128xf32, #tpu.memory_space<vmem>>)
      "tpu.region"() ({
        %run_scoped3A = tpu.sem_alloc : memref<!tpu.dma_semaphore, #tpu.memory_space<semaphore_mem>>
        %dma_start3A_24 = arith.constant 0 : i32
        %dma_start3A_25 = arith.constant 0 : i32
        %dma_start3A_26 = tpu.memref_slice %arg10[%dma_start3A_24, %dma_start3A_25] : memref<10000x128xf32, #tpu.memory_space<vmem_shared>> -> memref<10000x128xf32, #tpu.memory_space<vmem_shared>>
        tpu.enqueue_indirect_dma source(%arg9 : memref<80x128xf32, #tpu.memory_space<vmem>>) target(%dma_start3A_26 : memref<10000x128xf32, #tpu.memory_space<vmem_shared>>) offsets(%arg8 : memref<80xi32, #tpu.memory_space<vmem>>) semaphore(%run_scoped3A : memref<!tpu.dma_semaphore, #tpu.memory_space<semaphore_mem>>) {add = true}
        %dma_wait3A_27 = arith.constant 0 : i32
        %dma_wait3A_28 = arith.constant 0 : i32
        %dma_wait3A_29 = tpu.memref_slice %arg10[%dma_wait3A_27, %dma_wait3A_28] : memref<10000x128xf32, #tpu.memory_space<vmem_shared>> -> memref<10000x128xf32, #tpu.memory_space<vmem_shared>>
        tpu.wait_indirect_dma semaphore(%run_scoped3A : memref<!tpu.dma_semaphore, #tpu.memory_space<semaphore_mem>>) src(%arg9 : memref<80x128xf32, #tpu.memory_space<vmem>>) dst(%dma_wait3A_29 : memref<10000x128xf32, #tpu.memory_space<vmem_shared>>)
        tpu.yield
      }) : () -> ()
    }
    %scan3A_9 = arith.constant 125 : i32
    %barrier3A_10 = arith.constant 0 : index
    tpu.barrier barrier_id(%barrier3A_10)
    %eq3A_11 = arith.constant 0 : i32
    %eq3A_12 = arith.cmpi eq, %arg1, %eq3A_11 : i32
    %convert_element_type3A_13 = arith.extui %eq3A_12 : i1 to i32
    %cond3A_14 = arith.constant 0 : i32
    %cond3A_15 = arith.cmpi ne, %convert_element_type3A_13, %cond3A_14 : i32
    scf.if %cond3A_15 {
      "tpu.region"() ({
        %run_scoped3A = tpu.sem_alloc : memref<!tpu.dma_semaphore, #tpu.memory_space<semaphore_mem>>
        %dma_start3A = arith.constant 0 : i32
        %dma_start3A_16 = arith.constant 0 : i32
        %dma_start3A_17 = tpu.memref_slice %arg6[%arg0, %dma_start3A, %dma_start3A_16] : memref<2x10000x128xf32, #tpu.memory_space<hbm>> -> memref<1x10000x128xf32, #tpu.memory_space<hbm>>
        %dma_start3A_18 = tpu.memref_squeeze %dma_start3A_17 : memref<1x10000x128xf32, #tpu.memory_space<hbm>> -> memref<10000x128xf32, #tpu.memory_space<hbm>>
        tpu.enqueue_dma source(%arg10 : memref<10000x128xf32, #tpu.memory_space<vmem_shared>>) target(%dma_start3A_18 : memref<10000x128xf32, #tpu.memory_space<hbm>>) target_semaphore(%run_scoped3A : memref<!tpu.dma_semaphore, #tpu.memory_space<semaphore_mem>>)
        %dma_wait3A = arith.constant 0 : i32
        %dma_wait3A_19 = arith.constant 0 : i32
        %dma_wait3A_20 = tpu.memref_slice %arg6[%arg0, %dma_wait3A, %dma_wait3A_19] : memref<2x10000x128xf32, #tpu.memory_space<hbm>> -> memref<1x10000x128xf32, #tpu.memory_space<hbm>>
        %dma_wait3A_21 = tpu.memref_squeeze %dma_wait3A_20 : memref<1x10000x128xf32, #tpu.memory_space<hbm>> -> memref<10000x128xf32, #tpu.memory_space<hbm>>
        tpu.wait_dma2 semaphore(%run_scoped3A : memref<!tpu.dma_semaphore, #tpu.memory_space<semaphore_mem>>) src(%arg10 : memref<10000x128xf32, #tpu.memory_space<vmem_shared>>) dst(%dma_wait3A_21 : memref<10000x128xf32, #tpu.memory_space<hbm>>)
        tpu.yield
      }) : () -> ()
    } else {
    }
    return
  }
}

#map = affine_map<(d0, d1) -> (0, 0)>
#map1 = affine_map<(d0, d1) -> (0)>
#map2 = affine_map<(d0, d1) -> (0, 0, 0)>
module attributes {stable_mosaic.version = 14 : i64} {
  func.func @_agg_body(%arg0: i32, %arg1: i32, %arg2: memref<10000x128xf32, #tpu.memory_space<hbm>>, %arg3: memref<320000xi32, #tpu.memory_space<hbm>>, %arg4: memref<320000xi32, #tpu.memory_space<hbm>>, %arg5: memref<10000x128xf32, #tpu.memory_space<hbm>>, %arg6: memref<2x10000x128xf32, #tpu.memory_space<hbm>>, %arg7: memref<80xi32, #tpu.memory_space<vmem>>, %arg8: memref<80xi32, #tpu.memory_space<vmem>>, %arg9: memref<80x128xf32, #tpu.memory_space<vmem>>, %arg10: memref<10000x128xf32, #tpu.memory_space<vmem_shared>>, %arg11: memref<!tpu.dma_semaphore, #tpu.memory_space<semaphore_mem>>) attributes {dimension_semantics = [#tpu.dimension_semantics<core_parallel>, #tpu.dimension_semantics<subcore_parallel>], iteration_bounds = array<i64: 2, 16>, scalar_prefetch = 0 : i64, scratch_operands = 5 : i64, tpu.core_type = #tpu.core_type<sc_vector_subcore>, window_params = [{transform_indices = #map}, {transform_indices = #map1}, {transform_indices = #map1}, {transform_indices = #map}, {transform_indices = #map2}]} {
    %mul3A = arith.constant 2 : i32
    %mul3A_0 = arith.muli %arg1, %mul3A : i32
    %add3A = arith.addi %mul3A_0, %arg0 : i32
    %eq3A = arith.constant 0 : i32
    %eq3A_1 = arith.cmpi eq, %arg1, %eq3A : i32
    %convert_element_type3A = arith.extui %eq3A_1 : i1 to i32
    %cond3A = arith.constant 0 : i32
    %cond3A_2 = arith.cmpi ne, %convert_element_type3A, %cond3A : i32
    scf.if %cond3A_2 {
      "tpu.region"() ({
        %run_scoped3A = tpu.sem_alloc : memref<!tpu.dma_semaphore, #tpu.memory_space<semaphore_mem>>
        tpu.enqueue_dma source(%arg5 : memref<10000x128xf32, #tpu.memory_space<hbm>>) target(%arg10 : memref<10000x128xf32, #tpu.memory_space<vmem_shared>>) target_semaphore(%run_scoped3A : memref<!tpu.dma_semaphore, #tpu.memory_space<semaphore_mem>>)
        tpu.wait_dma2 semaphore(%run_scoped3A : memref<!tpu.dma_semaphore, #tpu.memory_space<semaphore_mem>>) src(%arg5 : memref<10000x128xf32, #tpu.memory_space<hbm>>) dst(%arg10 : memref<10000x128xf32, #tpu.memory_space<vmem_shared>>)
        tpu.yield
      }) : () -> ()
    } else {
    }
    %barrier3A = arith.constant 0 : index
    tpu.barrier barrier_id(%barrier3A)
    %mul3A_3 = arith.constant 10000 : i32
    %mul3A_4 = arith.muli %add3A, %mul3A_3 : i32
    %scan3A = arith.constant 0 : i32
    %scan3A_5 = arith.constant 0 : i32
    %scan3A_6 = arith.constant 125 : i32
    %scan3A_7 = arith.addi %scan3A_5, %scan3A_6 : i32
    %scan3A_8 = arith.constant 1 : i32
    scf.for %scan3A_16 = %scan3A_5 to %scan3A_7 step %scan3A_8  : i32 {
      %mul3A_17 = arith.constant 80 : i32
      %mul3A_18 = arith.muli %scan3A_16, %mul3A_17 : i32
      %add3A_19 = arith.addi %mul3A_4, %mul3A_18 : i32
      "tpu.region"() ({
        %run_scoped3A = tpu.sem_alloc : memref<!tpu.dma_semaphore, #tpu.memory_space<semaphore_mem>>
        %dma_start3A_24 = tpu.memref_slice %arg3[%add3A_19] : memref<320000xi32, #tpu.memory_space<hbm>> -> memref<80xi32, #tpu.memory_space<hbm>>
        %dma_start3A_25 = tpu.memref_slice %arg3[%add3A_19] : memref<320000xi32, #tpu.memory_space<hbm>> -> memref<80xi32, #tpu.memory_space<hbm>>
        tpu.enqueue_dma source(%dma_start3A_25 : memref<80xi32, #tpu.memory_space<hbm>>) target(%arg7 : memref<80xi32, #tpu.memory_space<vmem>>) target_semaphore(%run_scoped3A : memref<!tpu.dma_semaphore, #tpu.memory_space<semaphore_mem>>)
        %dma_wait3A_26 = tpu.memref_slice %arg3[%add3A_19] : memref<320000xi32, #tpu.memory_space<hbm>> -> memref<80xi32, #tpu.memory_space<hbm>>
        %dma_wait3A_27 = tpu.memref_slice %arg3[%add3A_19] : memref<320000xi32, #tpu.memory_space<hbm>> -> memref<80xi32, #tpu.memory_space<hbm>>
        tpu.wait_dma2 semaphore(%run_scoped3A : memref<!tpu.dma_semaphore, #tpu.memory_space<semaphore_mem>>) src(%dma_wait3A_27 : memref<80xi32, #tpu.memory_space<hbm>>) dst(%arg7 : memref<80xi32, #tpu.memory_space<vmem>>)
        tpu.yield
      }) : () -> ()
      "tpu.region"() ({
        %run_scoped3A = tpu.sem_alloc : memref<!tpu.dma_semaphore, #tpu.memory_space<semaphore_mem>>
        %dma_start3A_24 = tpu.memref_slice %arg4[%add3A_19] : memref<320000xi32, #tpu.memory_space<hbm>> -> memref<80xi32, #tpu.memory_space<hbm>>
        %dma_start3A_25 = tpu.memref_slice %arg4[%add3A_19] : memref<320000xi32, #tpu.memory_space<hbm>> -> memref<80xi32, #tpu.memory_space<hbm>>
        tpu.enqueue_dma source(%dma_start3A_25 : memref<80xi32, #tpu.memory_space<hbm>>) target(%arg8 : memref<80xi32, #tpu.memory_space<vmem>>) target_semaphore(%run_scoped3A : memref<!tpu.dma_semaphore, #tpu.memory_space<semaphore_mem>>)
        %dma_wait3A_26 = tpu.memref_slice %arg4[%add3A_19] : memref<320000xi32, #tpu.memory_space<hbm>> -> memref<80xi32, #tpu.memory_space<hbm>>
        %dma_wait3A_27 = tpu.memref_slice %arg4[%add3A_19] : memref<320000xi32, #tpu.memory_space<hbm>> -> memref<80xi32, #tpu.memory_space<hbm>>
        tpu.wait_dma2 semaphore(%run_scoped3A : memref<!tpu.dma_semaphore, #tpu.memory_space<semaphore_mem>>) src(%dma_wait3A_27 : memref<80xi32, #tpu.memory_space<hbm>>) dst(%arg8 : memref<80xi32, #tpu.memory_space<vmem>>)
        tpu.yield
      }) : () -> ()
      %dma_start3A = arith.constant 0 : i32
      %dma_start3A_20 = arith.constant 0 : i32
      %dma_start3A_21 = tpu.memref_slice %arg2[%dma_start3A, %dma_start3A_20] : memref<10000x128xf32, #tpu.memory_space<hbm>> -> memref<10000x128xf32, #tpu.memory_space<hbm>>
      tpu.enqueue_indirect_dma source(%dma_start3A_21 : memref<10000x128xf32, #tpu.memory_space<hbm>>) target(%arg9 : memref<80x128xf32, #tpu.memory_space<vmem>>) offsets(%arg7 : memref<80xi32, #tpu.memory_space<vmem>>) semaphore(%arg11 : memref<!tpu.dma_semaphore, #tpu.memory_space<semaphore_mem>>)
      %dma_wait3A = arith.constant 0 : i32
      %dma_wait3A_22 = arith.constant 0 : i32
      %dma_wait3A_23 = tpu.memref_slice %arg2[%dma_wait3A, %dma_wait3A_22] : memref<10000x128xf32, #tpu.memory_space<hbm>> -> memref<10000x128xf32, #tpu.memory_space<hbm>>
      tpu.wait_indirect_dma semaphore(%arg11 : memref<!tpu.dma_semaphore, #tpu.memory_space<semaphore_mem>>) src(%dma_wait3A_23 : memref<10000x128xf32, #tpu.memory_space<hbm>>) dst(%arg9 : memref<80x128xf32, #tpu.memory_space<vmem>>)
      "tpu.region"() ({
        %run_scoped3A = tpu.sem_alloc : memref<!tpu.dma_semaphore, #tpu.memory_space<semaphore_mem>>
        %dma_start3A_24 = arith.constant 0 : i32
        %dma_start3A_25 = arith.constant 0 : i32
        %dma_start3A_26 = tpu.memref_slice %arg10[%dma_start3A_24, %dma_start3A_25] : memref<10000x128xf32, #tpu.memory_space<vmem_shared>> -> memref<10000x128xf32, #tpu.memory_space<vmem_shared>>
        tpu.enqueue_indirect_dma source(%arg9 : memref<80x128xf32, #tpu.memory_space<vmem>>) target(%dma_start3A_26 : memref<10000x128xf32, #tpu.memory_space<vmem_shared>>) offsets(%arg8 : memref<80xi32, #tpu.memory_space<vmem>>) semaphore(%run_scoped3A : memref<!tpu.dma_semaphore, #tpu.memory_space<semaphore_mem>>) {add = true}
        %dma_wait3A_27 = arith.constant 0 : i32
        %dma_wait3A_28 = arith.constant 0 : i32
        %dma_wait3A_29 = tpu.memref_slice %arg10[%dma_wait3A_27, %dma_wait3A_28] : memref<10000x128xf32, #tpu.memory_space<vmem_shared>> -> memref<10000x128xf32, #tpu.memory_space<vmem_shared>>
        tpu.wait_indirect_dma semaphore(%run_scoped3A : memref<!tpu.dma_semaphore, #tpu.memory_space<semaphore_mem>>) src(%arg9 : memref<80x128xf32, #tpu.memory_space<vmem>>) dst(%dma_wait3A_29 : memref<10000x128xf32, #tpu.memory_space<vmem_shared>>)
        tpu.yield
      }) : () -> ()
    }
    %scan3A_9 = arith.constant 125 : i32
    %barrier3A_10 = arith.constant 0 : index
    tpu.barrier barrier_id(%barrier3A_10)
    %eq3A_11 = arith.constant 0 : i32
    %eq3A_12 = arith.cmpi eq, %arg1, %eq3A_11 : i32
    %convert_element_type3A_13 = arith.extui %eq3A_12 : i1 to i32
    %cond3A_14 = arith.constant 0 : i32
    %cond3A_15 = arith.cmpi ne, %convert_element_type3A_13, %cond3A_14 : i32
    scf.if %cond3A_15 {
      "tpu.region"() ({
        %run_scoped3A = tpu.sem_alloc : memref<!tpu.dma_semaphore, #tpu.memory_space<semaphore_mem>>
        %dma_start3A = arith.constant 0 : i32
        %dma_start3A_16 = arith.constant 0 : i32
        %dma_start3A_17 = tpu.memref_slice %arg6[%arg0, %dma_start3A, %dma_start3A_16] : memref<2x10000x128xf32, #tpu.memory_space<hbm>> -> memref<1x10000x128xf32, #tpu.memory_space<hbm>>
        %dma_start3A_18 = tpu.memref_squeeze %dma_start3A_17 : memref<1x10000x128xf32, #tpu.memory_space<hbm>> -> memref<10000x128xf32, #tpu.memory_space<hbm>>
        tpu.enqueue_dma source(%arg10 : memref<10000x128xf32, #tpu.memory_space<vmem_shared>>) target(%dma_start3A_18 : memref<10000x128xf32, #tpu.memory_space<hbm>>) target_semaphore(%run_scoped3A : memref<!tpu.dma_semaphore, #tpu.memory_space<semaphore_mem>>)
        %dma_wait3A = arith.constant 0 : i32
        %dma_wait3A_19 = arith.constant 0 : i32
        %dma_wait3A_20 = tpu.memref_slice %arg6[%arg0, %dma_wait3A, %dma_wait3A_19] : memref<2x10000x128xf32, #tpu.memory_space<hbm>> -> memref<1x10000x128xf32, #tpu.memory_space<hbm>>
        %dma_wait3A_21 = tpu.memref_squeeze %dma_wait3A_20 : memref<1x10000x128xf32, #tpu.memory_space<hbm>> -> memref<10000x128xf32, #tpu.memory_space<hbm>>
        tpu.wait_dma2 semaphore(%run_scoped3A : memref<!tpu.dma_semaphore, #tpu.memory_space<semaphore_mem>>) src(%arg10 : memref<10000x128xf32, #tpu.memory_space<vmem_shared>>) dst(%dma_wait3A_21 : memref<10000x128xf32, #tpu.memory_space<hbm>>)
        tpu.yield
      }) : () -> ()
    } else {
    }
    return
  }
}

#map = affine_map<(d0, d1) -> (0, 0)>
#map1 = affine_map<(d0, d1) -> (0)>
#map2 = affine_map<(d0, d1) -> (0, 0, 0)>
module attributes {stable_mosaic.version = 14 : i64} {
  func.func @_agg_body(%arg0: i32, %arg1: i32, %arg2: memref<10000x128xf32, #tpu.memory_space<hbm>>, %arg3: memref<320000xi32, #tpu.memory_space<hbm>>, %arg4: memref<320000xi32, #tpu.memory_space<hbm>>, %arg5: memref<10000x128xf32, #tpu.memory_space<hbm>>, %arg6: memref<2x10000x128xf32, #tpu.memory_space<hbm>>, %arg7: memref<80xi32, #tpu.memory_space<vmem>>, %arg8: memref<80xi32, #tpu.memory_space<vmem>>, %arg9: memref<80x128xf32, #tpu.memory_space<vmem>>, %arg10: memref<10000x128xf32, #tpu.memory_space<vmem_shared>>, %arg11: memref<!tpu.dma_semaphore, #tpu.memory_space<semaphore_mem>>) attributes {dimension_semantics = [#tpu.dimension_semantics<core_parallel>, #tpu.dimension_semantics<subcore_parallel>], iteration_bounds = array<i64: 2, 16>, scalar_prefetch = 0 : i64, scratch_operands = 5 : i64, tpu.core_type = #tpu.core_type<sc_vector_subcore>, window_params = [{transform_indices = #map}, {transform_indices = #map1}, {transform_indices = #map1}, {transform_indices = #map}, {transform_indices = #map2}]} {
    %mul3A = arith.constant 2 : i32
    %mul3A_0 = arith.muli %arg1, %mul3A : i32
    %add3A = arith.addi %mul3A_0, %arg0 : i32
    %eq3A = arith.constant 0 : i32
    %eq3A_1 = arith.cmpi eq, %arg1, %eq3A : i32
    %convert_element_type3A = arith.extui %eq3A_1 : i1 to i32
    %cond3A = arith.constant 0 : i32
    %cond3A_2 = arith.cmpi ne, %convert_element_type3A, %cond3A : i32
    scf.if %cond3A_2 {
      "tpu.region"() ({
        %run_scoped3A = tpu.sem_alloc : memref<!tpu.dma_semaphore, #tpu.memory_space<semaphore_mem>>
        tpu.enqueue_dma source(%arg5 : memref<10000x128xf32, #tpu.memory_space<hbm>>) target(%arg10 : memref<10000x128xf32, #tpu.memory_space<vmem_shared>>) target_semaphore(%run_scoped3A : memref<!tpu.dma_semaphore, #tpu.memory_space<semaphore_mem>>)
        tpu.wait_dma2 semaphore(%run_scoped3A : memref<!tpu.dma_semaphore, #tpu.memory_space<semaphore_mem>>) src(%arg5 : memref<10000x128xf32, #tpu.memory_space<hbm>>) dst(%arg10 : memref<10000x128xf32, #tpu.memory_space<vmem_shared>>)
        tpu.yield
      }) : () -> ()
    } else {
    }
    %barrier3A = arith.constant 0 : index
    tpu.barrier barrier_id(%barrier3A)
    %mul3A_3 = arith.constant 10000 : i32
    %mul3A_4 = arith.muli %add3A, %mul3A_3 : i32
    %scan3A = arith.constant 0 : i32
    %scan3A_5 = arith.constant 0 : i32
    %scan3A_6 = arith.constant 125 : i32
    %scan3A_7 = arith.addi %scan3A_5, %scan3A_6 : i32
    %scan3A_8 = arith.constant 1 : i32
    scf.for %scan3A_16 = %scan3A_5 to %scan3A_7 step %scan3A_8  : i32 {
      %mul3A_17 = arith.constant 80 : i32
      %mul3A_18 = arith.muli %scan3A_16, %mul3A_17 : i32
      %add3A_19 = arith.addi %mul3A_4, %mul3A_18 : i32
      "tpu.region"() ({
        %run_scoped3A = tpu.sem_alloc : memref<!tpu.dma_semaphore, #tpu.memory_space<semaphore_mem>>
        %dma_start3A_24 = tpu.memref_slice %arg3[%add3A_19] : memref<320000xi32, #tpu.memory_space<hbm>> -> memref<80xi32, #tpu.memory_space<hbm>>
        %dma_start3A_25 = tpu.memref_slice %arg3[%add3A_19] : memref<320000xi32, #tpu.memory_space<hbm>> -> memref<80xi32, #tpu.memory_space<hbm>>
        tpu.enqueue_dma source(%dma_start3A_25 : memref<80xi32, #tpu.memory_space<hbm>>) target(%arg7 : memref<80xi32, #tpu.memory_space<vmem>>) target_semaphore(%run_scoped3A : memref<!tpu.dma_semaphore, #tpu.memory_space<semaphore_mem>>)
        %dma_wait3A_26 = tpu.memref_slice %arg3[%add3A_19] : memref<320000xi32, #tpu.memory_space<hbm>> -> memref<80xi32, #tpu.memory_space<hbm>>
        %dma_wait3A_27 = tpu.memref_slice %arg3[%add3A_19] : memref<320000xi32, #tpu.memory_space<hbm>> -> memref<80xi32, #tpu.memory_space<hbm>>
        tpu.wait_dma2 semaphore(%run_scoped3A : memref<!tpu.dma_semaphore, #tpu.memory_space<semaphore_mem>>) src(%dma_wait3A_27 : memref<80xi32, #tpu.memory_space<hbm>>) dst(%arg7 : memref<80xi32, #tpu.memory_space<vmem>>)
        tpu.yield
      }) : () -> ()
      "tpu.region"() ({
        %run_scoped3A = tpu.sem_alloc : memref<!tpu.dma_semaphore, #tpu.memory_space<semaphore_mem>>
        %dma_start3A_24 = tpu.memref_slice %arg4[%add3A_19] : memref<320000xi32, #tpu.memory_space<hbm>> -> memref<80xi32, #tpu.memory_space<hbm>>
        %dma_start3A_25 = tpu.memref_slice %arg4[%add3A_19] : memref<320000xi32, #tpu.memory_space<hbm>> -> memref<80xi32, #tpu.memory_space<hbm>>
        tpu.enqueue_dma source(%dma_start3A_25 : memref<80xi32, #tpu.memory_space<hbm>>) target(%arg8 : memref<80xi32, #tpu.memory_space<vmem>>) target_semaphore(%run_scoped3A : memref<!tpu.dma_semaphore, #tpu.memory_space<semaphore_mem>>)
        %dma_wait3A_26 = tpu.memref_slice %arg4[%add3A_19] : memref<320000xi32, #tpu.memory_space<hbm>> -> memref<80xi32, #tpu.memory_space<hbm>>
        %dma_wait3A_27 = tpu.memref_slice %arg4[%add3A_19] : memref<320000xi32, #tpu.memory_space<hbm>> -> memref<80xi32, #tpu.memory_space<hbm>>
        tpu.wait_dma2 semaphore(%run_scoped3A : memref<!tpu.dma_semaphore, #tpu.memory_space<semaphore_mem>>) src(%dma_wait3A_27 : memref<80xi32, #tpu.memory_space<hbm>>) dst(%arg8 : memref<80xi32, #tpu.memory_space<vmem>>)
        tpu.yield
      }) : () -> ()
      %dma_start3A = arith.constant 0 : i32
      %dma_start3A_20 = arith.constant 0 : i32
      %dma_start3A_21 = tpu.memref_slice %arg2[%dma_start3A, %dma_start3A_20] : memref<10000x128xf32, #tpu.memory_space<hbm>> -> memref<10000x128xf32, #tpu.memory_space<hbm>>
      tpu.enqueue_indirect_dma source(%dma_start3A_21 : memref<10000x128xf32, #tpu.memory_space<hbm>>) target(%arg9 : memref<80x128xf32, #tpu.memory_space<vmem>>) offsets(%arg7 : memref<80xi32, #tpu.memory_space<vmem>>) semaphore(%arg11 : memref<!tpu.dma_semaphore, #tpu.memory_space<semaphore_mem>>)
      %dma_wait3A = arith.constant 0 : i32
      %dma_wait3A_22 = arith.constant 0 : i32
      %dma_wait3A_23 = tpu.memref_slice %arg2[%dma_wait3A, %dma_wait3A_22] : memref<10000x128xf32, #tpu.memory_space<hbm>> -> memref<10000x128xf32, #tpu.memory_space<hbm>>
      tpu.wait_indirect_dma semaphore(%arg11 : memref<!tpu.dma_semaphore, #tpu.memory_space<semaphore_mem>>) src(%dma_wait3A_23 : memref<10000x128xf32, #tpu.memory_space<hbm>>) dst(%arg9 : memref<80x128xf32, #tpu.memory_space<vmem>>)
      "tpu.region"() ({
        %run_scoped3A = tpu.sem_alloc : memref<!tpu.dma_semaphore, #tpu.memory_space<semaphore_mem>>
        %dma_start3A_24 = arith.constant 0 : i32
        %dma_start3A_25 = arith.constant 0 : i32
        %dma_start3A_26 = tpu.memref_slice %arg10[%dma_start3A_24, %dma_start3A_25] : memref<10000x128xf32, #tpu.memory_space<vmem_shared>> -> memref<10000x128xf32, #tpu.memory_space<vmem_shared>>
        tpu.enqueue_indirect_dma source(%arg9 : memref<80x128xf32, #tpu.memory_space<vmem>>) target(%dma_start3A_26 : memref<10000x128xf32, #tpu.memory_space<vmem_shared>>) offsets(%arg8 : memref<80xi32, #tpu.memory_space<vmem>>) semaphore(%run_scoped3A : memref<!tpu.dma_semaphore, #tpu.memory_space<semaphore_mem>>) {add = true}
        %dma_wait3A_27 = arith.constant 0 : i32
        %dma_wait3A_28 = arith.constant 0 : i32
        %dma_wait3A_29 = tpu.memref_slice %arg10[%dma_wait3A_27, %dma_wait3A_28] : memref<10000x128xf32, #tpu.memory_space<vmem_shared>> -> memref<10000x128xf32, #tpu.memory_space<vmem_shared>>
        tpu.wait_indirect_dma semaphore(%run_scoped3A : memref<!tpu.dma_semaphore, #tpu.memory_space<semaphore_mem>>) src(%arg9 : memref<80x128xf32, #tpu.memory_space<vmem>>) dst(%dma_wait3A_29 : memref<10000x128xf32, #tpu.memory_space<vmem_shared>>)
        tpu.yield
      }) : () -> ()
    }
    %scan3A_9 = arith.constant 125 : i32
    %barrier3A_10 = arith.constant 0 : index
    tpu.barrier barrier_id(%barrier3A_10)
    %eq3A_11 = arith.constant 0 : i32
    %eq3A_12 = arith.cmpi eq, %arg1, %eq3A_11 : i32
    %convert_element_type3A_13 = arith.extui %eq3A_12 : i1 to i32
    %cond3A_14 = arith.constant 0 : i32
    %cond3A_15 = arith.cmpi ne, %convert_element_type3A_13, %cond3A_14 : i32
    scf.if %cond3A_15 {
      "tpu.region"() ({
        %run_scoped3A = tpu.sem_alloc : memref<!tpu.dma_semaphore, #tpu.memory_space<semaphore_mem>>
        %dma_start3A = arith.constant 0 : i32
        %dma_start3A_16 = arith.constant 0 : i32
        %dma_start3A_17 = tpu.memref_slice %arg6[%arg0, %dma_start3A, %dma_start3A_16] : memref<2x10000x128xf32, #tpu.memory_space<hbm>> -> memref<1x10000x128xf32, #tpu.memory_space<hbm>>
        %dma_start3A_18 = tpu.memref_squeeze %dma_start3A_17 : memref<1x10000x128xf32, #tpu.memory_space<hbm>> -> memref<10000x128xf32, #tpu.memory_space<hbm>>
        tpu.enqueue_dma source(%arg10 : memref<10000x128xf32, #tpu.memory_space<vmem_shared>>) target(%dma_start3A_18 : memref<10000x128xf32, #tpu.memory_space<hbm>>) target_semaphore(%run_scoped3A : memref<!tpu.dma_semaphore, #tpu.memory_space<semaphore_mem>>)
        %dma_wait3A = arith.constant 0 : i32
        %dma_wait3A_19 = arith.constant 0 : i32
        %dma_wait3A_20 = tpu.memref_slice %arg6[%arg0, %dma_wait3A, %dma_wait3A_19] : memref<2x10000x128xf32, #tpu.memory_space<hbm>> -> memref<1x10000x128xf32, #tpu.memory_space<hbm>>
        %dma_wait3A_21 = tpu.memref_squeeze %dma_wait3A_20 : memref<1x10000x128xf32, #tpu.memory_space<hbm>> -> memref<10000x128xf32, #tpu.memory_space<hbm>>
        tpu.wait_dma2 semaphore(%run_scoped3A : memref<!tpu.dma_semaphore, #tpu.memory_space<semaphore_mem>>) src(%arg10 : memref<10000x128xf32, #tpu.memory_space<vmem_shared>>) dst(%dma_wait3A_21 : memref<10000x128xf32, #tpu.memory_space<hbm>>)
        tpu.yield
      }) : () -> ()
    } else {
    }
    return
  }
}

module attributes {stable_mosaic.version = 14 : i64} {
  func.func @_mm_body(%arg0: i32, %arg1: memref<1000x128xf32, #tpu.memory_space<vmem>>, %arg2: memref<128x128xf32, #tpu.memory_space<vmem>>, %arg3: memref<1000x128xf32, #tpu.memory_space<vmem>>) attributes {dimension_semantics = [#tpu.dimension_semantics<arbitrary>], iteration_bounds = array<i64: 10>, scalar_prefetch = 0 : i64, scratch_operands = 0 : i64, tpu.core_type = #tpu.core_type<tc>, window_params = [{transform_indices = @transform_0, window_bounds = array<i64: 1000, 128>}, {pipeline_mode = #tpu.pipeline_mode<synchronous>, transform_indices = @transform_1, window_bounds = array<i64: 128, 128>}, {transform_indices = @transform_2, window_bounds = array<i64: 1000, 128>}]} {
    %get3A = arith.constant 0 : index
    %get3A_0 = arith.constant 0 : index
    %get3A_1 = vector.load %arg1[%get3A, %get3A_0] : memref<1000x128xf32, #tpu.memory_space<vmem>>, vector<1000x128xf32>
    %get3A_2 = arith.constant 0 : index
    %get3A_3 = arith.constant 0 : index
    %get3A_4 = vector.load %arg2[%get3A_2, %get3A_3] : memref<128x128xf32, #tpu.memory_space<vmem>>, vector<128x128xf32>
    %dot_general3A = arith.constant dense<0.000000e+00> : vector<1000x128xf32>
    %dot_general3A_5 = tpu.matmul %get3A_1, %get3A_4, %dot_general3A {dimension_numbers = #tpu.dot_dimension_numbers<[1], [0], [0], [1], [0, 0, 1, 1], [], []>, transpose_lhs_hint = false} : vector<1000x128xf32>, vector<128x128xf32>, vector<1000x128xf32> -> vector<1000x128xf32>
    %swap3A = arith.constant 0 : index
    %swap3A_6 = arith.constant 0 : index
    %swap3A_7 = vector.load %arg3[%swap3A, %swap3A_6] : memref<1000x128xf32, #tpu.memory_space<vmem>>, vector<1000x128xf32>
    tpu.vector_store %arg3[%swap3A, %swap3A_6], %dot_general3A_5 {strides = array<i32>} : memref<1000x128xf32, #tpu.memory_space<vmem>>, vector<1000x128xf32>,
    return
  }
  func.func @transform_0(%arg0: i32) -> (i32, i32) {
    %c0_i32 = arith.constant 0 : i32
    %c0_i32_0 = arith.constant 0 : i32
    return %arg0, %c0_i32 : i32, i32
  }
  func.func @transform_1(%arg0: i32) -> (i32, i32) {
    %c0_i32 = arith.constant 0 : i32
    %c0_i32_0 = arith.constant 0 : i32
    %c0_i32_1 = arith.constant 0 : i32
    return %c0_i32, %c0_i32_0 : i32, i32
  }
  func.func @transform_2(%arg0: i32) -> (i32, i32) {
    %c0_i32 = arith.constant 0 : i32
    %c0_i32_0 = arith.constant 0 : i32
    return %arg0, %c0_i32 : i32, i32
  }
}

module attributes {stable_mosaic.version = 14 : i64} {
  func.func @_dinv_scale_body(%arg0: i32, %arg1: memref<1000x128xf32, #tpu.memory_space<vmem>>, %arg2: memref<1000x128xf32, #tpu.memory_space<vmem>>, %arg3: memref<1000x128xf32, #tpu.memory_space<vmem>>, %arg4: memref<1000x128xf32, #tpu.memory_space<vmem>>, %arg5: memref<1000x128xf32, #tpu.memory_space<vmem>>) attributes {dimension_semantics = [#tpu.dimension_semantics<arbitrary>], iteration_bounds = array<i64: 10>, scalar_prefetch = 0 : i64, scratch_operands = 0 : i64, tpu.core_type = #tpu.core_type<tc>, window_params = [{transform_indices = @transform_0, window_bounds = array<i64: 1000, 128>}, {transform_indices = @transform_1, window_bounds = array<i64: 1000, 128>}, {transform_indices = @transform_2, window_bounds = array<i64: 1000, 128>}, {transform_indices = @transform_3, window_bounds = array<i64: 1000, 128>}, {transform_indices = @transform_4, window_bounds = array<i64: 1000, 128>}]} {
    %get3A = arith.constant 0 : index
    %get3A_0 = arith.constant 0 : index
    %get3A_1 = vector.load %arg1[%get3A, %get3A_0] : memref<1000x128xf32, #tpu.memory_space<vmem>>, vector<1000x1xf32>
    %get3A_2 = arith.constant 0 : index
    %get3A_3 = arith.constant 0 : index
    %get3A_4 = vector.load %arg2[%get3A_2, %get3A_3] : memref<1000x128xf32, #tpu.memory_space<vmem>>, vector<1000x1xf32>
    %add3A = arith.addf %get3A_1, %get3A_4 : vector<1000x1xf32>
    %add3A_5 = arith.constant 1.000000e+00 : f32
    %add3A_6 = vector.broadcast %add3A_5 : f32 to vector<1000x1xf32>
    %add3A_7 = arith.addf %add3A, %add3A_6 : vector<1000x1xf32>
    %rsqrt3A = math.rsqrt %add3A_7 : vector<1000x1xf32>
    %broadcast_in_dim3A = vector.shape_cast %rsqrt3A : vector<1000x1xf32> to vector<1000x1xf32>
    %broadcast_in_dim3A_8 = vector.broadcast %broadcast_in_dim3A : vector<1000x1xf32> to vector<1000x128xf32>
    %swap3A = arith.constant 0 : index
    %swap3A_9 = arith.constant 0 : index
    %swap3A_10 = vector.load %arg4[%swap3A, %swap3A_9] : memref<1000x128xf32, #tpu.memory_space<vmem>>, vector<1000x128xf32>
    tpu.vector_store %arg4[%swap3A, %swap3A_9], %broadcast_in_dim3A_8 {strides = array<i32>} : memref<1000x128xf32, #tpu.memory_space<vmem>>, vector<1000x128xf32>,
    %get3A_11 = arith.constant 0 : index
    %get3A_12 = arith.constant 0 : index
    %get3A_13 = vector.load %arg3[%get3A_11, %get3A_12] : memref<1000x128xf32, #tpu.memory_space<vmem>>, vector<1000x128xf32>
    %mul3A = arith.mulf %broadcast_in_dim3A_8, %get3A_13 : vector<1000x128xf32>
    %swap3A_14 = arith.constant 0 : index
    %swap3A_15 = arith.constant 0 : index
    %swap3A_16 = vector.load %arg5[%swap3A_14, %swap3A_15] : memref<1000x128xf32, #tpu.memory_space<vmem>>, vector<1000x128xf32>
    tpu.vector_store %arg5[%swap3A_14, %swap3A_15], %mul3A {strides = array<i32>} : memref<1000x128xf32, #tpu.memory_space<vmem>>, vector<1000x128xf32>,
    return
  }
  func.func @transform_0(%arg0: i32) -> (i32, i32) {
    %c0_i32 = arith.constant 0 : i32
    %c0_i32_0 = arith.constant 0 : i32
    return %arg0, %c0_i32 : i32, i32
  }
  func.func @transform_1(%arg0: i32) -> (i32, i32) {
    %c0_i32 = arith.constant 0 : i32
    %c0_i32_0 = arith.constant 0 : i32
    return %arg0, %c0_i32 : i32, i32
  }
  func.func @transform_2(%arg0: i32) -> (i32, i32) {
    %c0_i32 = arith.constant 0 : i32
    %c0_i32_0 = arith.constant 0 : i32
    return %arg0, %c0_i32 : i32, i32
  }
  func.func @transform_3(%arg0: i32) -> (i32, i32) {
    %c0_i32 = arith.constant 0 : i32
    %c0_i32_0 = arith.constant 0 : i32
    return %arg0, %c0_i32 : i32, i32
  }
  func.func @transform_4(%arg0: i32) -> (i32, i32) {
    %c0_i32 = arith.constant 0 : i32
    %c0_i32_0 = arith.constant 0 : i32
    return %arg0, %c0_i32 : i32, i32
  }
}

module attributes {stable_mosaic.version = 14 : i64} {
  func.func @_layer_body(%arg0: i32, %arg1: memref<1000x128xf32, #tpu.memory_space<vmem>>, %arg2: memref<1000x128xf32, #tpu.memory_space<vmem>>, %arg3: memref<1000x128xf32, #tpu.memory_space<vmem>>, %arg4: memref<1000x128xf32, #tpu.memory_space<vmem>>, %arg5: memref<1x128xf32, #tpu.memory_space<vmem>>, %arg6: memref<128x128xf32, #tpu.memory_space<vmem>>, %arg7: memref<1000x128xf32, #tpu.memory_space<vmem>>) attributes {dimension_semantics = [#tpu.dimension_semantics<arbitrary>], iteration_bounds = array<i64: 10>, scalar_prefetch = 0 : i64, scratch_operands = 0 : i64, tpu.core_type = #tpu.core_type<tc>, window_params = [{transform_indices = @transform_0, window_bounds = array<i64: 1000, 128>}, {transform_indices = @transform_1, window_bounds = array<i64: 1000, 128>}, {transform_indices = @transform_2, window_bounds = array<i64: 1000, 128>}, {transform_indices = @transform_3, window_bounds = array<i64: 1000, 128>}, {pipeline_mode = #tpu.pipeline_mode<synchronous>, transform_indices = @transform_4, window_bounds = array<i64: 1, 128>}, {pipeline_mode = #tpu.pipeline_mode<synchronous>, transform_indices = @transform_5, window_bounds = array<i64: 128, 128>}, {transform_indices = @transform_6, window_bounds = array<i64: 1000, 128>}]} {
    %get3A = arith.constant 0 : index
    %get3A_0 = arith.constant 0 : index
    %get3A_1 = vector.load %arg4[%get3A, %get3A_0] : memref<1000x128xf32, #tpu.memory_space<vmem>>, vector<1000x128xf32>
    %get3A_2 = arith.constant 0 : index
    %get3A_3 = arith.constant 0 : index
    %get3A_4 = vector.load %arg1[%get3A_2, %get3A_3] : memref<1000x128xf32, #tpu.memory_space<vmem>>, vector<1000x128xf32>
    %get3A_5 = arith.constant 0 : index
    %get3A_6 = arith.constant 0 : index
    %get3A_7 = vector.load %arg2[%get3A_5, %get3A_6] : memref<1000x128xf32, #tpu.memory_space<vmem>>, vector<1000x128xf32>
    %add3A = arith.addf %get3A_4, %get3A_7 : vector<1000x128xf32>
    %get3A_8 = arith.constant 0 : index
    %get3A_9 = arith.constant 0 : index
    %get3A_10 = vector.load %arg3[%get3A_8, %get3A_9] : memref<1000x128xf32, #tpu.memory_space<vmem>>, vector<1000x128xf32>
    %add3A_11 = arith.addf %add3A, %get3A_10 : vector<1000x128xf32>
    %mul3A = arith.mulf %get3A_1, %add3A_11 : vector<1000x128xf32>
    %get3A_12 = arith.constant 0 : index
    %get3A_13 = arith.constant 0 : index
    %get3A_14 = vector.load %arg5[%get3A_12, %get3A_13] : memref<1x128xf32, #tpu.memory_space<vmem>>, vector<1x128xf32>
    %add3A_15 = vector.broadcast %get3A_14 : vector<1x128xf32> to vector<1000x128xf32>
    %add3A_16 = arith.addf %mul3A, %add3A_15 : vector<1000x128xf32>
    %max3A = arith.constant 0.000000e+00 : f32
    %max3A_17 = vector.broadcast %max3A : f32 to vector<1000x128xf32>
    %max3A_18 = arith.maximumf %add3A_16, %max3A_17 : vector<1000x128xf32>
    %get3A_19 = arith.constant 0 : index
    %get3A_20 = arith.constant 0 : index
    %get3A_21 = vector.load %arg6[%get3A_19, %get3A_20] : memref<128x128xf32, #tpu.memory_space<vmem>>, vector<128x128xf32>
    %dot_general3A = arith.constant dense<0.000000e+00> : vector<1000x128xf32>
    %dot_general3A_22 = tpu.matmul %max3A_18, %get3A_21, %dot_general3A {dimension_numbers = #tpu.dot_dimension_numbers<[1], [0], [0], [1], [0, 0, 1, 1], [], []>, transpose_lhs_hint = false} : vector<1000x128xf32>, vector<128x128xf32>, vector<1000x128xf32> -> vector<1000x128xf32>
    %mul3A_23 = arith.mulf %get3A_1, %dot_general3A_22 : vector<1000x128xf32>
    %swap3A = arith.constant 0 : index
    %swap3A_24 = arith.constant 0 : index
    %swap3A_25 = vector.load %arg7[%swap3A, %swap3A_24] : memref<1000x128xf32, #tpu.memory_space<vmem>>, vector<1000x128xf32>
    tpu.vector_store %arg7[%swap3A, %swap3A_24], %mul3A_23 {strides = array<i32>} : memref<1000x128xf32, #tpu.memory_space<vmem>>, vector<1000x128xf32>,
    return
  }
  func.func @transform_0(%arg0: i32) -> (i32, i32) {
    %c0_i32 = arith.constant 0 : i32
    %c0_i32_0 = arith.constant 0 : i32
    return %arg0, %c0_i32 : i32, i32
  }
  func.func @transform_1(%arg0: i32) -> (i32, i32) {
    %c0_i32 = arith.constant 0 : i32
    %c0_i32_0 = arith.constant 0 : i32
    return %arg0, %c0_i32 : i32, i32
  }
  func.func @transform_2(%arg0: i32) -> (i32, i32) {
    %c0_i32 = arith.constant 0 : i32
    %c0_i32_0 = arith.constant 0 : i32
    return %arg0, %c0_i32 : i32, i32
  }
  func.func @transform_3(%arg0: i32) -> (i32, i32) {
    %c0_i32 = arith.constant 0 : i32
    %c0_i32_0 = arith.constant 0 : i32
    return %arg0, %c0_i32 : i32, i32
  }
  func.func @transform_4(%arg0: i32) -> (i32, i32) {
    %c0_i32 = arith.constant 0 : i32
    %c0_i32_0 = arith.constant 0 : i32
    %c0_i32_1 = arith.constant 0 : i32
    return %c0_i32, %c0_i32_0 : i32, i32
  }
  func.func @transform_5(%arg0: i32) -> (i32, i32) {
    %c0_i32 = arith.constant 0 : i32
    %c0_i32_0 = arith.constant 0 : i32
    %c0_i32_1 = arith.constant 0 : i32
    return %c0_i32, %c0_i32_0 : i32, i32
  }
  func.func @transform_6(%arg0: i32) -> (i32, i32) {
    %c0_i32 = arith.constant 0 : i32
    %c0_i32_0 = arith.constant 0 : i32
    return %arg0, %c0_i32 : i32, i32
  }
}

module attributes {stable_mosaic.version = 14 : i64} {
  func.func @_heads_body(%arg0: i32, %arg1: memref<1000x128xf32, #tpu.memory_space<vmem>>, %arg2: memref<1000x128xf32, #tpu.memory_space<vmem>>, %arg3: memref<1000x128xf32, #tpu.memory_space<vmem>>, %arg4: memref<1000x128xf32, #tpu.memory_space<vmem>>, %arg5: memref<1x128xf32, #tpu.memory_space<vmem>>, %arg6: memref<128x256xf32, #tpu.memory_space<vmem>>, %arg7: memref<1x256xf32, #tpu.memory_space<vmem>>, %arg8: memref<256x128xf32, #tpu.memory_space<vmem>>, %arg9: memref<1x128xf32, #tpu.memory_space<vmem>>, %arg10: memref<128x8xf32, #tpu.memory_space<vmem>>, %arg11: memref<1x8xf32, #tpu.memory_space<vmem>>, %arg12: memref<128x256xf32, #tpu.memory_space<vmem>>, %arg13: memref<1x256xf32, #tpu.memory_space<vmem>>, %arg14: memref<256x128xf32, #tpu.memory_space<vmem>>, %arg15: memref<1x128xf32, #tpu.memory_space<vmem>>, %arg16: memref<128x1xf32, #tpu.memory_space<vmem>>, %arg17: memref<1x1xf32, #tpu.memory_space<vmem>>, %arg18: memref<1000x8xf32, #tpu.memory_space<vmem>>, %arg19: memref<1000x1xf32, #tpu.memory_space<vmem>>) attributes {dimension_semantics = [#tpu.dimension_semantics<arbitrary>], iteration_bounds = array<i64: 10>, scalar_prefetch = 0 : i64, scratch_operands = 0 : i64, tpu.core_type = #tpu.core_type<tc>, window_params = [{transform_indices = @transform_0, window_bounds = array<i64: 1000, 128>}, {transform_indices = @transform_1, window_bounds = array<i64: 1000, 128>}, {transform_indices = @transform_2, window_bounds = array<i64: 1000, 128>}, {transform_indices = @transform_3, window_bounds = array<i64: 1000, 128>}, {pipeline_mode = #tpu.pipeline_mode<synchronous>, transform_indices = @transform_4, window_bounds = array<i64: 1, 128>}, {pipeline_mode = #tpu.pipeline_mode<synchronous>, transform_indices = @transform_5, window_bounds = array<i64: 128, 256>}, {pipeline_mode = #tpu.pipeline_mode<synchronous>, transform_indices = @transform_6, window_bounds = array<i64: 1, 256>}, {pipeline_mode = #tpu.pipeline_mode<synchronous>, transform_indices = @transform_7, window_bounds = array<i64: 256, 128>}, {pipeline_mode = #tpu.pipeline_mode<synchronous>, transform_indices = @transform_8, window_bounds = array<i64: 1, 128>}, {pipeline_mode = #tpu.pipeline_mode<synchronous>, transform_indices = @transform_9, window_bounds = array<i64: 128, 8>}, {pipeline_mode = #tpu.pipeline_mode<synchronous>, transform_indices = @transform_10, window_bounds = array<i64: 1, 8>}, {pipeline_mode = #tpu.pipeline_mode<synchronous>, transform_indices = @transform_11, window_bounds = array<i64: 128, 256>}, {pipeline_mode = #tpu.pipeline_mode<synchronous>, transform_indices = @transform_12, window_bounds = array<i64: 1, 256>}, {pipeline_mode = #tpu.pipeline_mode<synchronous>, transform_indices = @transform_13, window_bounds = array<i64: 256, 128>}, {pipeline_mode = #tpu.pipeline_mode<synchronous>, transform_indices = @transform_14, window_bounds = array<i64: 1, 128>}, {pipeline_mode = #tpu.pipeline_mode<synchronous>, transform_indices = @transform_15, window_bounds = array<i64: 128, 1>}, {pipeline_mode = #tpu.pipeline_mode<synchronous>, transform_indices = @transform_16, window_bounds = array<i64: 1, 1>}, {transform_indices = @transform_17, window_bounds = array<i64: 1000, 8>}, {transform_indices = @transform_18, window_bounds = array<i64: 1000, 1>}]} {
    %get3A = arith.constant 0 : index
    %get3A_0 = arith.constant 0 : index
    %get3A_1 = vector.load %arg4[%get3A, %get3A_0] : memref<1000x128xf32, #tpu.memory_space<vmem>>, vector<1000x128xf32>
    %get3A_2 = arith.constant 0 : index
    %get3A_3 = arith.constant 0 : index
    %get3A_4 = vector.load %arg1[%get3A_2, %get3A_3] : memref<1000x128xf32, #tpu.memory_space<vmem>>, vector<1000x128xf32>
    %get3A_5 = arith.constant 0 : index
    %get3A_6 = arith.constant 0 : index
    %get3A_7 = vector.load %arg2[%get3A_5, %get3A_6] : memref<1000x128xf32, #tpu.memory_space<vmem>>, vector<1000x128xf32>
    %add3A = arith.addf %get3A_4, %get3A_7 : vector<1000x128xf32>
    %get3A_8 = arith.constant 0 : index
    %get3A_9 = arith.constant 0 : index
    %get3A_10 = vector.load %arg3[%get3A_8, %get3A_9] : memref<1000x128xf32, #tpu.memory_space<vmem>>, vector<1000x128xf32>
    %add3A_11 = arith.addf %add3A, %get3A_10 : vector<1000x128xf32>
    %mul3A = arith.mulf %get3A_1, %add3A_11 : vector<1000x128xf32>
    %get3A_12 = arith.constant 0 : index
    %get3A_13 = arith.constant 0 : index
    %get3A_14 = vector.load %arg5[%get3A_12, %get3A_13] : memref<1x128xf32, #tpu.memory_space<vmem>>, vector<1x128xf32>
    %add3A_15 = vector.broadcast %get3A_14 : vector<1x128xf32> to vector<1000x128xf32>
    %add3A_16 = arith.addf %mul3A, %add3A_15 : vector<1000x128xf32>
    %max3A = arith.constant 0.000000e+00 : f32
    %max3A_17 = vector.broadcast %max3A : f32 to vector<1000x128xf32>
    %max3A_18 = arith.maximumf %add3A_16, %max3A_17 : vector<1000x128xf32>
    %get3A_19 = arith.constant 0 : index
    %get3A_20 = arith.constant 0 : index
    %get3A_21 = vector.load %arg6[%get3A_19, %get3A_20] : memref<128x256xf32, #tpu.memory_space<vmem>>, vector<128x256xf32>
    %dot_general3A = arith.constant dense<0.000000e+00> : vector<1000x256xf32>
    %dot_general3A_22 = tpu.matmul %max3A_18, %get3A_21, %dot_general3A {dimension_numbers = #tpu.dot_dimension_numbers<[1], [0], [0], [1], [0, 0, 1, 1], [], []>, transpose_lhs_hint = false} : vector<1000x128xf32>, vector<128x256xf32>, vector<1000x256xf32> -> vector<1000x256xf32>
    %get3A_23 = arith.constant 0 : index
    %get3A_24 = arith.constant 0 : index
    %get3A_25 = vector.load %arg7[%get3A_23, %get3A_24] : memref<1x256xf32, #tpu.memory_space<vmem>>, vector<1x256xf32>
    %add3A_26 = vector.broadcast %get3A_25 : vector<1x256xf32> to vector<1000x256xf32>
    %add3A_27 = arith.addf %dot_general3A_22, %add3A_26 : vector<1000x256xf32>
    %max3A_28 = arith.constant 0.000000e+00 : f32
    %max3A_29 = vector.broadcast %max3A_28 : f32 to vector<1000x256xf32>
    %max3A_30 = arith.maximumf %add3A_27, %max3A_29 : vector<1000x256xf32>
    %get3A_31 = arith.constant 0 : index
    %get3A_32 = arith.constant 0 : index
    %get3A_33 = vector.load %arg8[%get3A_31, %get3A_32] : memref<256x128xf32, #tpu.memory_space<vmem>>, vector<256x128xf32>
    %dot_general3A_34 = arith.constant dense<0.000000e+00> : vector<1000x128xf32>
    %dot_general3A_35 = tpu.matmul %max3A_30, %get3A_33, %dot_general3A_34 {dimension_numbers = #tpu.dot_dimension_numbers<[1], [0], [0], [1], [0, 0, 1, 1], [], []>, transpose_lhs_hint = false} : vector<1000x256xf32>, vector<256x128xf32>, vector<1000x128xf32> -> vector<1000x128xf32>
    %get3A_36 = arith.constant 0 : index
    %get3A_37 = arith.constant 0 : index
    %get3A_38 = vector.load %arg9[%get3A_36, %get3A_37] : memref<1x128xf32, #tpu.memory_space<vmem>>, vector<1x128xf32>
    %add3A_39 = vector.broadcast %get3A_38 : vector<1x128xf32> to vector<1000x128xf32>
    %add3A_40 = arith.addf %dot_general3A_35, %add3A_39 : vector<1000x128xf32>
    %max3A_41 = arith.constant 0.000000e+00 : f32
    %max3A_42 = vector.broadcast %max3A_41 : f32 to vector<1000x128xf32>
    %max3A_43 = arith.maximumf %add3A_40, %max3A_42 : vector<1000x128xf32>
    %get3A_44 = arith.constant 0 : index
    %get3A_45 = arith.constant 0 : index
    %get3A_46 = vector.load %arg10[%get3A_44, %get3A_45] : memref<128x8xf32, #tpu.memory_space<vmem>>, vector<128x8xf32>
    %dot_general3A_47 = arith.constant dense<0.000000e+00> : vector<1000x8xf32>
    %dot_general3A_48 = tpu.matmul %max3A_43, %get3A_46, %dot_general3A_47 {dimension_numbers = #tpu.dot_dimension_numbers<[1], [0], [0], [1], [0, 0, 1, 1], [], []>, transpose_lhs_hint = false} : vector<1000x128xf32>, vector<128x8xf32>, vector<1000x8xf32> -> vector<1000x8xf32>
    %get3A_49 = arith.constant 0 : index
    %get3A_50 = arith.constant 0 : index
    %get3A_51 = vector.load %arg11[%get3A_49, %get3A_50] : memref<1x8xf32, #tpu.memory_space<vmem>>, vector<1x8xf32>
    %add3A_52 = vector.broadcast %get3A_51 : vector<1x8xf32> to vector<1000x8xf32>
    %add3A_53 = arith.addf %dot_general3A_48, %add3A_52 : vector<1000x8xf32>
    %reduce_max3A = arith.constant dense<0xFF800000> : vector<1000xf32>
    %reduce_max3A_54 = vector.multi_reduction <maximumf>, %add3A_53, %reduce_max3A [1] : vector<1000x8xf32> to vector<1000xf32>
    %broadcast_in_dim3A = vector.shape_cast %reduce_max3A_54 : vector<1000xf32> to vector<1000x1xf32>
    %sub3A = vector.broadcast %broadcast_in_dim3A : vector<1000x1xf32> to vector<1000x8xf32>
    %sub3A_55 = arith.subf %add3A_53, %sub3A : vector<1000x8xf32>
    %exp3A = math.exp %sub3A_55 : vector<1000x8xf32>
    %reduce_sum3A = arith.constant dense<0.000000e+00> : vector<1000xf32>
    %reduce_sum3A_56 = vector.multi_reduction <add>, %exp3A, %reduce_sum3A [1] : vector<1000x8xf32> to vector<1000xf32>
    %broadcast_in_dim3A_57 = vector.shape_cast %reduce_sum3A_56 : vector<1000xf32> to vector<1000x1xf32>
    %div3A = vector.broadcast %broadcast_in_dim3A_57 : vector<1000x1xf32> to vector<1000x8xf32>
    %div3A_58 = arith.divf %exp3A, %div3A : vector<1000x8xf32>
    %swap3A = arith.constant 0 : index
    %swap3A_59 = arith.constant 0 : index
    %swap3A_60 = vector.load %arg18[%swap3A, %swap3A_59] : memref<1000x8xf32, #tpu.memory_space<vmem>>, vector<1000x8xf32>
    tpu.vector_store %arg18[%swap3A, %swap3A_59], %div3A_58 {strides = array<i32>} : memref<1000x8xf32, #tpu.memory_space<vmem>>, vector<1000x8xf32>,
    %get3A_61 = arith.constant 0 : index
    %get3A_62 = arith.constant 0 : index
    %get3A_63 = vector.load %arg12[%get3A_61, %get3A_62] : memref<128x256xf32, #tpu.memory_space<vmem>>, vector<128x256xf32>
    %dot_general3A_64 = arith.constant dense<0.000000e+00> : vector<1000x256xf32>
    %dot_general3A_65 = tpu.matmul %max3A_18, %get3A_63, %dot_general3A_64 {dimension_numbers = #tpu.dot_dimension_numbers<[1], [0], [0], [1], [0, 0, 1, 1], [], []>, transpose_lhs_hint = false} : vector<1000x128xf32>, vector<128x256xf32>, vector<1000x256xf32> -> vector<1000x256xf32>
    %get3A_66 = arith.constant 0 : index
    %get3A_67 = arith.constant 0 : index
    %get3A_68 = vector.load %arg13[%get3A_66, %get3A_67] : memref<1x256xf32, #tpu.memory_space<vmem>>, vector<1x256xf32>
    %add3A_69 = vector.broadcast %get3A_68 : vector<1x256xf32> to vector<1000x256xf32>
    %add3A_70 = arith.addf %dot_general3A_65, %add3A_69 : vector<1000x256xf32>
    %max3A_71 = arith.constant 0.000000e+00 : f32
    %max3A_72 = vector.broadcast %max3A_71 : f32 to vector<1000x256xf32>
    %max3A_73 = arith.maximumf %add3A_70, %max3A_72 : vector<1000x256xf32>
    %get3A_74 = arith.constant 0 : index
    %get3A_75 = arith.constant 0 : index
    %get3A_76 = vector.load %arg14[%get3A_74, %get3A_75] : memref<256x128xf32, #tpu.memory_space<vmem>>, vector<256x128xf32>
    %dot_general3A_77 = arith.constant dense<0.000000e+00> : vector<1000x128xf32>
    %dot_general3A_78 = tpu.matmul %max3A_73, %get3A_76, %dot_general3A_77 {dimension_numbers = #tpu.dot_dimension_numbers<[1], [0], [0], [1], [0, 0, 1, 1], [], []>, transpose_lhs_hint = false} : vector<1000x256xf32>, vector<256x128xf32>, vector<1000x128xf32> -> vector<1000x128xf32>
    %get3A_79 = arith.constant 0 : index
    %get3A_80 = arith.constant 0 : index
    %get3A_81 = vector.load %arg15[%get3A_79, %get3A_80] : memref<1x128xf32, #tpu.memory_space<vmem>>, vector<1x128xf32>
    %add3A_82 = vector.broadcast %get3A_81 : vector<1x128xf32> to vector<1000x128xf32>
    %add3A_83 = arith.addf %dot_general3A_78, %add3A_82 : vector<1000x128xf32>
    %max3A_84 = arith.constant 0.000000e+00 : f32
    %max3A_85 = vector.broadcast %max3A_84 : f32 to vector<1000x128xf32>
    %max3A_86 = arith.maximumf %add3A_83, %max3A_85 : vector<1000x128xf32>
    %get3A_87 = arith.constant 0 : index
    %get3A_88 = arith.constant 0 : index
    %get3A_89 = vector.load %arg16[%get3A_87, %get3A_88] : memref<128x1xf32, #tpu.memory_space<vmem>>, vector<128x1xf32>
    %dot_general3A_90 = arith.constant dense<0.000000e+00> : vector<1000x1xf32>
    %dot_general3A_91 = tpu.matmul %max3A_86, %get3A_89, %dot_general3A_90 {dimension_numbers = #tpu.dot_dimension_numbers<[1], [0], [0], [1], [0, 0, 1, 1], [], []>, transpose_lhs_hint = false} : vector<1000x128xf32>, vector<128x1xf32>, vector<1000x1xf32> -> vector<1000x1xf32>
    %get3A_92 = arith.constant 0 : index
    %get3A_93 = arith.constant 0 : index
    %get3A_94 = vector.load %arg17[%get3A_92, %get3A_93] : memref<1x1xf32, #tpu.memory_space<vmem>>, vector<1x1xf32>
    %add3A_95 = vector.broadcast %get3A_94 : vector<1x1xf32> to vector<1000x1xf32>
    %add3A_96 = arith.addf %dot_general3A_91, %add3A_95 : vector<1000x1xf32>
    %swap3A_97 = arith.constant 0 : index
    %swap3A_98 = arith.constant 0 : index
    %swap3A_99 = vector.load %arg19[%swap3A_97, %swap3A_98] : memref<1000x1xf32, #tpu.memory_space<vmem>>, vector<1000x1xf32>
    tpu.vector_store %arg19[%swap3A_97, %swap3A_98], %add3A_96 {strides = array<i32>} : memref<1000x1xf32, #tpu.memory_space<vmem>>, vector<1000x1xf32>,
    return
  }
  func.func @transform_0(%arg0: i32) -> (i32, i32) {
    %c0_i32 = arith.constant 0 : i32
    %c0_i32_0 = arith.constant 0 : i32
    return %arg0, %c0_i32 : i32, i32
  }
  func.func @transform_1(%arg0: i32) -> (i32, i32) {
    %c0_i32 = arith.constant 0 : i32
    %c0_i32_0 = arith.constant 0 : i32
    return %arg0, %c0_i32 : i32, i32
  }
  func.func @transform_2(%arg0: i32) -> (i32, i32) {
    %c0_i32 = arith.constant 0 : i32
    %c0_i32_0 = arith.constant 0 : i32
    return %arg0, %c0_i32 : i32, i32
  }
  func.func @transform_3(%arg0: i32) -> (i32, i32) {
    %c0_i32 = arith.constant 0 : i32
    %c0_i32_0 = arith.constant 0 : i32
    return %arg0, %c0_i32 : i32, i32
  }
  func.func @transform_4(%arg0: i32) -> (i32, i32) {
    %c0_i32 = arith.constant 0 : i32
    %c0_i32_0 = arith.constant 0 : i32
    %c0_i32_1 = arith.constant 0 : i32
    return %c0_i32, %c0_i32_0 : i32, i32
  }
  func.func @transform_5(%arg0: i32) -> (i32, i32) {
    %c0_i32 = arith.constant 0 : i32
    %c0_i32_0 = arith.constant 0 : i32
    %c0_i32_1 = arith.constant 0 : i32
    return %c0_i32, %c0_i32_0 : i32, i32
  }
  func.func @transform_6(%arg0: i32) -> (i32, i32) {
    %c0_i32 = arith.constant 0 : i32
    %c0_i32_0 = arith.constant 0 : i32
    %c0_i32_1 = arith.constant 0 : i32
    return %c0_i32, %c0_i32_0 : i32, i32
  }
  func.func @transform_7(%arg0: i32) -> (i32, i32) {
    %c0_i32 = arith.constant 0 : i32
    %c0_i32_0 = arith.constant 0 : i32
    %c0_i32_1 = arith.constant 0 : i32
    return %c0_i32, %c0_i32_0 : i32, i32
  }
  func.func @transform_8(%arg0: i32) -> (i32, i32) {
    %c0_i32 = arith.constant 0 : i32
    %c0_i32_0 = arith.constant 0 : i32
    %c0_i32_1 = arith.constant 0 : i32
    return %c0_i32, %c0_i32_0 : i32, i32
  }
  func.func @transform_9(%arg0: i32) -> (i32, i32) {
    %c0_i32 = arith.constant 0 : i32
    %c0_i32_0 = arith.constant 0 : i32
    %c0_i32_1 = arith.constant 0 : i32
    return %c0_i32, %c0_i32_0 : i32, i32
  }
  func.func @transform_10(%arg0: i32) -> (i32, i32) {
    %c0_i32 = arith.constant 0 : i32
    %c0_i32_0 = arith.constant 0 : i32
    %c0_i32_1 = arith.constant 0 : i32
    return %c0_i32, %c0_i32_0 : i32, i32
  }
  func.func @transform_11(%arg0: i32) -> (i32, i32) {
    %c0_i32 = arith.constant 0 : i32
    %c0_i32_0 = arith.constant 0 : i32
    %c0_i32_1 = arith.constant 0 : i32
    return %c0_i32, %c0_i32_0 : i32, i32
  }
  func.func @transform_12(%arg0: i32) -> (i32, i32) {
    %c0_i32 = arith.constant 0 : i32
    %c0_i32_0 = arith.constant 0 : i32
    %c0_i32_1 = arith.constant 0 : i32
    return %c0_i32, %c0_i32_0 : i32, i32
  }
  func.func @transform_13(%arg0: i32) -> (i32, i32) {
    %c0_i32 = arith.constant 0 : i32
    %c0_i32_0 = arith.constant 0 : i32
    %c0_i32_1 = arith.constant 0 : i32
    return %c0_i32, %c0_i32_0 : i32, i32
  }
  func.func @transform_14(%arg0: i32) -> (i32, i32) {
    %c0_i32 = arith.constant 0 : i32
    %c0_i32_0 = arith.constant 0 : i32
    %c0_i32_1 = arith.constant 0 : i32
    return %c0_i32, %c0_i32_0 : i32, i32
  }
  func.func @transform_15(%arg0: i32) -> (i32, i32) {
    %c0_i32 = arith.constant 0 : i32
    %c0_i32_0 = arith.constant 0 : i32
    %c0_i32_1 = arith.constant 0 : i32
    return %c0_i32, %c0_i32_0 : i32, i32
  }
  func.func @transform_16(%arg0: i32) -> (i32, i32) {
    %c0_i32 = arith.constant 0 : i32
    %c0_i32_0 = arith.constant 0 : i32
    %c0_i32_1 = arith.constant 0 : i32
    return %c0_i32, %c0_i32_0 : i32, i32
  }
  func.func @transform_17(%arg0: i32) -> (i32, i32) {
    %c0_i32 = arith.constant 0 : i32
    %c0_i32_0 = arith.constant 0 : i32
    return %arg0, %c0_i32 : i32, i32
  }
  func.func @transform_18(%arg0: i32) -> (i32, i32) {
    %c0_i32 = arith.constant 0 : i32
    %c0_i32_0 = arith.constant 0 : i32
    return %arg0, %c0_i32 : i32, i32
  }
}

</mosaic_0001>

<sc_bundles>
// kernel: kernel.11.cloned.1.call-start
scs
__scs_entry_jumppad:
0x0: {  	(pc) =	sbr.rel $0x88, $3  }
0x1: {  	(tag) =	ssettag $0x0;
	lr =	simm.s32 $0x1  }
0x2: {  	[smem:$0x3F8D] =	sst lr;
	_ =	strace $0xD0000000  }
0x3: {  	_ = 	snop  }
0x4: {  	_ = 	snop  }
0x5: {  	_ = 	snop  }
0x6: {  	_ = 	snop  }
0x7: {  	_ = 	snop  }
__scs_overlays_trampoline_lowered:
0x8: {  	[smem:$0x3F9C] =	sst s0  }
0x9: {  	[smem:$0x3F9D] =	sst s1  }
0xa: {  	[smem:$0x3F9E] =	sst s2  }
0xb: {  	[smem:$0x3F9F] =	sst s3  }
0xc: {  	[smem:$0x3FA0] =	sst s4  }
0xd: {  	[smem:$0x3FA1] =	sst s5  }
0xe: {  	[smem:$0x3FA2] =	sst s6  }
0xf: {  	[smem:$0x3FA3] =	sst s7  }
0x10: {  	[smem:$0x3FA4] =	sst s8  }
0x11: {  	[smem:$0x3FA5] =	sst s9;
	s0 =	simm.s32 @!p0 $0x0  }
0x12: {  	s1 =	sld [smem:$0x3F8B];
	s0 =	simm.s32 @p0 $0x1  }
0x13: {  	[smem:$0x3FA6] =	sst s0;
	s0 =	simm.s32 @!p1 $0x0  }
0x14: {  	s2 =	sld [smem:$0x3F8A];
	s0 =	simm.s32 @p1 $0x1  }
0x15: {  	[smem:$0x3FA7] =	sst s0;
	s0 =	simm.s32 @!p2 $0x0  }
0x16: {  	s3 =	sld [smem:$0x3FDB];
	s0 =	simm.s32 @p2 $0x1  }
0x17: {  	s4 =	simm.s32 $0x1BF5;
	[smem:$0x3FA9] =	sst s0  }
0x18: {  	s0 =	sld [smem:$0x3F8C];
	_ =	swait.ge [sflag:s4], $0x0  }
0x19: {  	s7 =	sld [smem:$0x3F8D]  }
0x1a: {  	s8 =	sadd.s32 $0xFFFFE003, lr  }
0x1b: {  	s9 =	sadd.s32 $0xFFFFFEF7, lr;
	s5 =	simm.s32 $0xFFFFFFFF;
	p2 =	slt.u32 s8, $0xFFFFF086  }
0x1c: {  	p1 =	slt.u32 s9, $0xF7A;
	s5 =	simm.s32 @!p2 $0x0  }
0x1d: {  	s5 =	simm.s32 @p1 $0x1;
	p0 =	seq.s32 s7, s2  }
0x1e: {  	s7 =	smul.u32 @!p0 $0xF7A, s2;
	p2 =	seq.s32 @!p0 s5, $0x0  }
0x1f: {  	s9 =	smul.u32 $0xF7A, s1;
	s8 =	simm.s32 @!p0 $0x1BF5;
	p2 =	por !p2, p0  }
0x20: {  	[sflag:s8] =	ssyncset.s32 @!p0 $0xFFFFF086;
	s6 =	sadd.s32 @!p0 s3, s7;
	s7 =	simm.s32 @!p0 $0x108  }
0x21: {  	s3 =	sadd.s32 s3, s9;
	s6 =	sadd.s32 @!p0 $0x88, s6;
	s7 =	simm.s32 @p2 $0x1082  }
0x22: {  	[simem:s7], [sflag:s8] =	dma.local @!p0 [hbm:s6], $0xF7A  }
0x23: {  	s9 =	sor.u32 $0xD0000000, s2;
	s6 =	simm.s32 $0x108;
	_ =	swait.ge @!p0 [sflag:s8], $0x0  }
0x24: {  	s3 =	sadd.s32 $0x88, s3;
	s6 =	simm.s32 @!p1 $0x1082;
	[sflag:s4] =	ssyncset.s32 $0xFFFFF086  }
0x25: {  	[simem:s6], [sflag:s4] =	dma.local [hbm:s3], $0xF7A  }
0x26: {  	[smem:$0x3F8D] =	sst s1;
	(tag) =	ssettag s2;
	_ =	strace s9  }
0x27: {  	s1 =	sld [smem:$0x3F9D]  }
0x28: {  	s2 =	sld [smem:$0x3F9E]  }
0x29: {  	s4 =	sld [smem:$0x3FA0]  }
0x2a: {  	p0 =	seq.s32 s5, $0x0;
	s5 =	sld [smem:$0x3FA1]  }
0x2b: {  	s6 =	sld [smem:$0x3FA2]  }
0x2c: {  	s7 =	sld [smem:$0x3FA3]  }
0x2d: {  	s3 =	simm.s32 $0x108;
	s8 =	sld [smem:$0x3FA4]  }
0x2e: {  	s3 =	simm.s32 @!p0 $0x1082;
	s9 =	sld [smem:$0x3FA5]  }
0x2f: {  	lr =	sadd.s32 s0, s3;
	s0 =	sld [smem:$0x3F9C]  }
0x30: {  	s3 =	sld [smem:$0x3F9F]  }
0x31: {  	[smem:$0x3FA8] =	sst s10  }
0x32: {  	s10 =	sld [smem:$0x3FA6];
	_ =	sdelay $0x3  }
0x33: {  	p0 =	seq.s32 s10, $0x1;
	s10 =	sld [smem:$0x3FA8];
	_ =	sdelay $0x3  }
0x34: {  	[smem:$0x3FA8] =	sst s10  }
0x35: {  	s10 =	sld [smem:$0x3FA7];
	_ =	sdelay $0x3  }
0x36: {  	p1 =	seq.s32 s10, $0x1;
	s10 =	sld [smem:$0x3FA8];
	_ =	sdelay $0x3  }
0x37: {  	[smem:$0x3FA8] =	sst s10  }
0x38: {  	s10 =	sld [smem:$0x3FA9]  }
0x39: {  	_ = 	snop;
	(pc) =	sbr.ind lr, $3  }
0x3a: {  	_ = 	snop  }
0x3b: {  	_ = 	snop  }
0x3c: {  	p2 =	seq.s32 s10, $0x1;
	s10 =	sld [smem:$0x3FA8]  }
0x3d: {  	_ =	shalt  }
0x3e: {  	_ =	shalt  }
0x3f: {  	_ =	shalt  }
0x40: {  	_ =	shalt  }
0x41: {  	_ =	shalt  }
0x42: {  	_ =	shalt  }
0x43: {  	_ =	shalt  }
0x44: {  	_ =	shalt  }
0x45: {  	_ =	shalt  }
0x46: {  	_ =	shalt  }
0x47: {  	_ =	shalt  }
0x48: {  	_ =	shalt  }
0x49: {  	_ =	shalt  }
0x4a: {  	_ =	shalt  }
0x4b: {  	_ =	shalt  }
0x4c: {  	_ =	shalt  }
0x4d: {  	_ =	shalt  }
0x4e: {  	_ =	shalt  }
0x4f: {  	_ =	shalt  }
0x50: {  	_ =	shalt  }
0x51: {  	_ =	shalt  }
0x52: {  	_ =	shalt  }
0x53: {  	_ =	shalt  }
0x54: {  	_ =	shalt  }
0x55: {  	_ =	shalt  }
0x56: {  	_ =	shalt  }
0x57: {  	_ =	shalt  }
0x58: {  	_ =	shalt  }
0x59: {  	_ =	shalt  }
0x5a: {  	_ =	shalt  }
0x5b: {  	_ =	shalt  }
0x5c: {  	_ =	shalt  }
0x5d: {  	_ =	shalt  }
0x5e: {  	_ =	shalt  }
0x5f: {  	_ =	shalt  }
0x60: {  	_ =	shalt  }
0x61: {  	_ =	shalt  }
0x62: {  	_ =	shalt  }
0x63: {  	_ =	shalt  }
0x64: {  	_ =	shalt  }
0x65: {  	_ =	shalt  }
0x66: {  	_ =	shalt  }
0x67: {  	_ =	shalt  }
0x68: {  	_ =	shalt  }
0x69: {  	_ =	shalt  }
0x6a: {  	_ =	shalt  }
0x6b: {  	_ =	shalt  }
0x6c: {  	_ =	shalt  }
0x6d: {  	_ =	shalt  }
0x6e: {  	_ =	shalt  }
0x6f: {  	_ =	shalt  }
0x70: {  	_ =	shalt  }
0x71: {  	_ =	shalt  }
0x72: {  	_ =	shalt  }
0x73: {  	_ =	shalt  }
0x74: {  	_ =	shalt  }
0x75: {  	_ =	shalt  }
0x76: {  	_ =	shalt  }
0x77: {  	_ =	shalt  }
0x78: {  	_ =	shalt  }
0x79: {  	_ =	shalt  }
0x7a: {  	_ =	shalt  }
0x7b: {  	_ =	shalt  }
0x7c: {  	_ =	shalt  }
0x7d: {  	_ =	shalt  }
0x7e: {  	_ =	shalt  }
0x7f: {  	_ =	shalt  }
0x80: {  	_ =	shalt  }
0x81: {  	_ =	shalt  }
0x82: {  	_ =	shalt  }
0x83: {  	_ =	shalt  }
0x84: {  	_ =	shalt  }
0x85: {  	_ =	shalt  }
0x86: {  	_ =	shalt  }
0x87: {  	_ =	shalt  }
.Lfunc_end0:
.L_simem_size_0:
called_computation_lowered:
.L_overlay_start_0:
0x88: {  	s2 =	sld [smem:$0x3FD9]  }
0x89: {  	s3 =	sld [smem:$0x3FFE];
	_ =	sdelay $0x1  }
0x8a: {  	s1 =	srdreg.scid  }
0x8b: {  	s0 =	sand.u32 $0x1, s1  }
0x8c: {  	s14 =	sshll.u32 s0, $0xA;
	s2 =	sadd.s32 s3, s2  }
0x8d: {  	s2 =	sadd.s32 s2, s14  }
0x8e: {  	[smem:$0x3FB4] =	sst s2  }
0x8f: {  	_ = 	snop  }
0x90: {  	s2 =	sld [smem:$0x3FD0];
	_ =	sdelay $0x2  }
0x91: {  	s15 =	simm.s32 $0xA;
	s4 =	simm.s32 $0x10  }
0x92: {  	[smem:s4], [sflag:s15] =	dma.local [hbm:s2], $0x1  }
0x93: {  	_ =	swait.eq [sflag:s15], $0x1  }
0x94: {  	[sflag:s15] =	ssyncset.done $0x0  }
0x95: {  	[sflag:s15] =	ssyncadd.s32 $0xFFFFFFFF  }
0x96: {  	s16 =	sld [smem:$0x10];
	(tm) =	ssettm $0x1  }
0x97: {  	s17 =	sld [smem:$0x3FFB];
	_ =	sdelay $0x3  }
0x98: {  	_ =	strace s17  }
0x99: {  	s3 =	sld [smem:$0x3FFC];
	_ =	sdelay $0x3  }
0x9a: {  	_ =	strace s3  }
0x9b: {  	s3 =	sld [smem:$0x3FFD];
	_ =	sdelay $0x3  }
0x9c: {  	_ =	strace s3  }
0x9d: {  	_ =	strace $0x8FFFFFFF  }
0x9e: {  	s18 =	sld [smem:$0x3FDB];
	_ =	sdelay $0x1  }
0x9f: {  	s19 =	simm.s32 $_scs_section_size  }
0xa0: {  	s5 =	simm.s32 $_size__tile_overlayer_lowered;
	s6 =	simm.s32 $_tile_overlayer_lowered  }
0xa1: {  	s22 =	simm.s32 $0x1BFF;
	s21 =	sshll.u32 s6, $0x1;
	s3 =	sadd.s32 s19, s18  }
0xa2: {  	s7 =	simm.s32 $0x0;
	s20 =	sshll.u32 s5, $0x1;
	s5 =	sadd.s32 s21, s3  }
0xa3: {  	[timem:s7], [sflag:s22] =	dma.local [hbm:s5], s20  }
0xa4: {  	_ =	swait.ge [sflag:s22], s20  }
0xa5: {  	s4 =	ssub.s32 $0x0, s20;
	[sflag:s22] =	ssyncset.done $0x0  }
0xa6: {  	[sflag:s22] =	ssyncadd.s32 s4;
	_ =	sdelay $0x1  }
0xa7: {  	s23 =	simm.s32 $0x1B8B  }
0xa8: {  	_ =	swait.ge [sflag:s23], $0x1  }
0xa9: {  	[sflag:s23] =	ssyncset.done $0x0  }
0xaa: {  	s25 =	simm.s32 $0x1B8E;
	s24 =	sld [smem:$0x3FFE];
	[sflag:s23] =	ssyncadd.s32 $0xFFFFFFFF  }
0xab: {  	s26 =	simm.s32 $execute0_lowered;
	[smem:$0x3FD2] =	sst s25  }
0xac: {  	s5 =	sshll.u32 s26, $0x1;
	_ =	strace $0x80000046;
	[dreg:$0x1] =	wrdreg $0xFFFFFFFF  }
0xad: {  	s28 =	simm.s32 $_size_execute0_lowered;
	s3 =	sadd.s32 s3, s5;
	[dreg:$0x0] =	wrdreg $0x0  }
0xae: {  	s5 =	sshll.u32 s28, $0x1;
	[dreg:$0x2] =	wrdreg s3  }
0xaf: {  	[dreg:$0x3] =	wrdreg s5  }
0xb0: {  	[dreg:$0x4] =	wrdreg $0xC0  }
0xb1: {  	_ =	task [dreg:s7], $0x5FFFF  }
0xb2: {  	[dreg:$0x1] =	wrdreg $0xFFFFFFFF  }
0xb3: {  	[dreg:$0x0] =	wrdreg $0x60  }
0xb4: {  	[dreg:$0x2] =	wrdreg s24  }
0xb5: {  	[dreg:$0x3] =	wrdreg s16  }
0xb6: {  	[dreg:$0x4] =	wrdreg $0x28800  }
0xb7: {  	[dreg:$0x5] =	wrdreg $0x9  }
0xb8: {  	_ =	task.clear_ibuf [dreg:s7], $0x6FFFF;
	_ =	strace $0x90000046  }
0xb9: {  	s29 =	simm.s32 $0x9;
	_ =	strace $0x80000048  }
0xba: {  	_ =	swait.ge [sflag:s29], $0x1  }
0xbb: {  	[sflag:s29] =	ssyncadd.s32 $0xFFFFFFFF  }
0xbc: {  	_ =	strace $0x90000048  }
0xbd: {  	_ =	sfence  }
0xbe: {  	s30 =	sld [smem:$0x0];
	_ =	sdelay $0x2  }
0xbf: {  	s31 =	sshll.u32 s1, $0xD;
	s1 =	sshrl.u32 s1, $0x2  }
0xc0: {  	s3 =	sand.u32 $0x4000, s31;
	s1 =	sadd.s32 s1, s30  }
0xc1: {  	s0 =	sor.u32 s3, s0;
	s1 =	sshll.u32 s1, $0x11  }
0xc2: {  	s0 =	sor.u32 s1, s0  }
0xc3: {  	s0 =	sadd.s32 $0x8F2B, s0  }
0xc4: {  	[sflag:s0] =	ssyncadd.remote.s32 $0x1  }
0xc5: {  	_ =	sfence.sel $0xFFFF  }
0xc6: {  	[dreg:$0x0] =	wrdreg $0xFFFFFFFF;
	(pc) =	sbr.abs _section_cstart, $3  }
0xc7: {  	[dreg:$0x1] =	wrdreg $0xFFFFFFFF  }
0xc8: {  	_ =	task.clear_ibuf [dreg:s7], $0x2FFFF;
	_ =	strace $0x9FFFFFFF  }
0xc9: {  	(tm) =	ssettm $0x7FFFFFFF  }
tec
execute0_lowered:
.L_overlay_start_1:
0x0: {  	(tag) =	ssettag $0x1  }
0x1: {  	s5 =	rddreg [dreg:$0x0]  }
0x2: {  	s0 =	srdreg.scid;
	s1 =	rddreg [dreg:$0x1]  }
0x3: {  	s7 =	stileid.u32;
	s2 =	rddreg [dreg:$0x2];
	s3 =	simm.s32 $0x0  }
0x4: {  	s11 =	simm.s32 $0x50;
	s4 =	sand.u32 $0x1, s0;
	s6 =	smul.u32 $0x4E20, s7  }
0x5: {  	s12 =	simm.s32 $0x0;
	s0 =	rddreg [dreg:$0x3];
	s8 =	smul.u32 $0x2710, s4  }
0x6: {  	[smem:$0x7FF] =	sst s3;
	p0 =	sne.s32 s7, $0x0;
	s30 =	smul.u32 $0x27100, s4  }
0x7: {  	s9 =	ssub.s32 $0x2, s4;
	_ =	strace $0x80000047;
	s6 =	sadd.s32 s8, s6  }
0x8: {  	s4 =	sadd.s32 $0x19C00, s5;
	s31 =	sshrl.u32 s9, $0x1;
	s6 =	sshrl.u32 s6, $0x3  }
0x9: {  	s8 =	sshrl.u32 @!p0 s2, $0x3;
	s10 =	sadd.s32 s6, s5;
	s5 =	sadd.s32 s30, s5  }
0xa: {  	s6 =	ssub.s32 s9, s31;
	s9 =	simm.s32 $0x80;
	s5 =	sadd.s32 $0x40E00, s5  }
0xb: {  	s6 =	smax.u32 s6, $0x1;
	s7 =	sadd.s32 $0xFE00, s10;
	s10 =	simm.s32 $0x1  }
.LBB2_1:
0xc: {  	s13 =	simm.s32 @!p0 $0x1C01  }
0xd: {  	[spmem:s8], [sflag:s13] =	dma.local @!p0 [hbm:s4], $0x27100  }
0xe: {  	s13 =	simm.s32 @!p0 $0x1  }
0xf: {  	_ =	swait.ge @!p0 [sflag:s13], $0x27100  }
0x10: {  	[sflag:s13] =	ssyncset.done @!p0 $0x0  }
0x11: {  	[sflag:s13] =	ssyncadd.s32 @!p0 $0xFFFD8F00  }
0x12: {  	[bflag:$0x0] =	sbarrier.arrive $0xFFFF  }
0x13: {  	[tilespmem:s9], [sflag:$0x1] =	stream.linear.gather [hbm4b:s1+s3], $0x2800, $0x38;
	[tilespmem:$0x16100] =	vst v63  }
0x14: {  	_ =	swait.ge [sflag:s10], $0x2800  }
0x15: {  	[sflag:s10] =	ssyncset.done $0x0  }
0x16: {  	s31 =	sadd.s32 $0x0, s7;
	[sflag:s10] =	ssyncadd.s32 $0xFFFFD800  }
0x17: {  	[tilespmem:s3], [sflag:$0x1] =	stream.linear.gather [hbm4b:s31+s3], $0x50, $0x38;
	[tilespmem:$0x16100] =	vst v63  }
0x18: {  	_ =	swait.ge [sflag:s10], $0x50  }
0x19: {  	[sflag:s10] =	ssyncset.done $0x0  }
0x1a: {  	[sflag:s10] =	ssyncadd.s32 $0xFFFFFFB0  }
0x1b: {  	[spmem:s2] =	stream.indirect.scatter.add.f32 [tilespmem:s9], [sflag:$0x1], $0x80, s3, s11, $0xb8;
	[tilespmem:$0x16100] =	vst v63  }
0x1c: {  	_ =	swait.ge [sflag:s10], $0x2800  }
0x1d: {  	s14 =	simm.s32 $0x14;
	s13 =	simm.s32 $0xA;
	[sflag:s10] =	ssyncset.done $0x0  }
.LBB2_2:
0x1e: {  	s15 =	sadd.s32 s13, s7  }
0x1f: {  	[sflag:s10] =	ssyncadd.s32 $0xFFFFD800;
	s13 =	smov.u32 s14;
	s16 =	sadd.s32 $0xA, s14  }
0x20: {  	[tilespmem:s3], [sflag:$0x1] =	stream.linear.gather [hbm4b:s15+s3], $0x50, $0x38;
	[tilespmem:$0x16100] =	vst v63  }
0x21: {  	p1 =	sne.s32 s14, $0x4D8;
	_ =	swait.ge [sflag:s10], $0x50  }
.Ltmp0:
0x22: {  	[sflag:s10] =	ssyncset.done $0x0;
	(pc) =	sbr.rel @p1 .LBB2_2-.Ltmp0, $4  }
0x23: {  	[sflag:s10] =	ssyncadd.s32 $0xFFFFFFB0  }
0x24: {  	[spmem:s2] =	stream.indirect.scatter.add.f32 [tilespmem:s9], [sflag:$0x1], $0x80, s3, s11, $0xb8;
	[tilespmem:$0x16100] =	vst v63  }
0x25: {  	_ =	swait.ge [sflag:s10], $0x2800  }
0x26: {  	s14 =	smov.u32 s16;
	[sflag:s10] =	ssyncset.done $0x0  }
0x27: {  	s13 =	sadd.s32 s13, s7;
	[sflag:s10] =	ssyncadd.s32 $0xFFFFD800  }
0x28: {  	[tilespmem:s3], [sflag:$0x1] =	stream.linear.gather [hbm4b:s13+s3], $0x50, $0x38;
	[tilespmem:$0x16100] =	vst v63  }
0x29: {  	_ =	swait.ge [sflag:s10], $0x50  }
0x2a: {  	[sflag:s10] =	ssyncset.done $0x0  }
0x2b: {  	[sflag:s10] =	ssyncadd.s32 $0xFFFFFFB0  }
0x2c: {  	[spmem:s2] =	stream.indirect.scatter.add.f32 [tilespmem:s9], [sflag:$0x1], $0x80, s3, s11, $0xb8;
	[tilespmem:$0x16100] =	vst v63  }
0x2d: {  	_ =	swait.ge [sflag:s10], $0x2800  }
0x2e: {  	[sflag:s10] =	ssyncset.done $0x0  }
0x2f: {  	s12 =	sadd.s32 $0x1, s12;
	[sflag:s10] =	ssyncadd.s32 $0xFFFFD800  }
0x30: {  	s13 =	simm.s32 @!p0 $0x1C01;
	p1 =	sne.s32 s12, s6;
	[bflag:$0x0] =	sbarrier.arrive $0xFFFF  }
0x31: {  	[hbm:s5], [sflag:s13] =	dma.local @!p0 [spmem:s8], $0x27100  }
.Ltmp1:
0x32: {  	_ = 	snop;
	(pc) =	sbr.rel @p1 .LBB2_1-.Ltmp1, $4  }
0x33: {  	s13 =	simm.s32 @!p0 $0x1  }
0x34: {  	_ =	swait.ge @!p0 [sflag:s13], $0x27100  }
0x35: {  	[sflag:s13] =	ssyncset.done @!p0 $0x0  }
0x36: {  	[sflag:s13] =	ssyncadd.s32 @!p0 $0xFFFD8F00  }
0x37: {  	_ =	sfence.sel $0x180000  }
0x38: {  	[bflag:$0x0] =	sbarrier.arrive $0xFFFF  }
0x39: {  	_ =	strace $0x90000047  }
0x3a: {  	s0 =	sadd.s32 @!p0 $0x100000, s0;
	[bflag:$0x2] =	sbarrier.arrive $0xFFFF  }
0x3b: {  	[sflag:s0] =	ssyncadd.tile.s32 @!p0 $0x1;
	_ =	shalt  }
.Lfunc_end2:
_tile_overlayer_lowered:
.L_overlay_start_2:
0x3c: {  	(tag) =	ssettag $0x2  }
0x3d: {  	s0 =	rddreg [dreg:$0x0];
	s2 =	stileid.u32  }
0x3e: {  	s1 =	rddreg [dreg:$0x1];
	p0 =	sne.s32 s2, $0x0  }
0x3f: {  	s3 =	rddreg [dreg:$0x2];
	[bflag:$0x3] =	sbarrier.arrive $0xFFFF;
	s2 =	simm.s32 @!p0 $0x1C01  }
0x40: {  	[timem:s3], [sflag:s2] =	dma.local @!p0 [hbm:s0], s1  }
0x41: {  	s0 =	simm.s32 @!p0 $0x1  }
0x42: {  	_ =	swait.ge @!p0 [sflag:s0], s1  }
0x43: {  	s1 =	ssub.s32 @!p0 $0x0, s1;
	[sflag:s0] =	ssyncset.done @!p0 $0x0  }
0x44: {  	[sflag:s0] =	ssyncadd.s32 @!p0 s1  }
0x45: {  	[bflag:$0x3] =	sbarrier.arrive $0xFFFF  }
0x46: {  	_ =	shalt  }

// kernel: kernel.14.cloned.1.call-start
scs
__scs_entry_jumppad:
0x0: {  	(pc) =	sbr.rel $0x88, $3  }
0x1: {  	(tag) =	ssettag $0x0;
	lr =	simm.s32 $0x1  }
0x2: {  	[smem:$0x3F8D] =	sst lr;
	_ =	strace $0xD0000000  }
0x3: {  	_ = 	snop  }
0x4: {  	_ = 	snop  }
0x5: {  	_ = 	snop  }
0x6: {  	_ = 	snop  }
0x7: {  	_ = 	snop  }
__scs_overlays_trampoline_lowered:
0x8: {  	[smem:$0x3F9C] =	sst s0  }
0x9: {  	[smem:$0x3F9D] =	sst s1  }
0xa: {  	[smem:$0x3F9E] =	sst s2  }
0xb: {  	[smem:$0x3F9F] =	sst s3  }
0xc: {  	[smem:$0x3FA0] =	sst s4  }
0xd: {  	[smem:$0x3FA1] =	sst s5  }
0xe: {  	[smem:$0x3FA2] =	sst s6  }
0xf: {  	[smem:$0x3FA3] =	sst s7  }
0x10: {  	[smem:$0x3FA4] =	sst s8  }
0x11: {  	[smem:$0x3FA5] =	sst s9;
	s0 =	simm.s32 @!p0 $0x0  }
0x12: {  	s1 =	sld [smem:$0x3F8B];
	s0 =	simm.s32 @p0 $0x1  }
0x13: {  	[smem:$0x3FA6] =	sst s0;
	s0 =	simm.s32 @!p1 $0x0  }
0x14: {  	s2 =	sld [smem:$0x3F8A];
	s0 =	simm.s32 @p1 $0x1  }
0x15: {  	[smem:$0x3FA7] =	sst s0;
	s0 =	simm.s32 @!p2 $0x0  }
0x16: {  	s3 =	sld [smem:$0x3FDB];
	s0 =	simm.s32 @p2 $0x1  }
0x17: {  	s4 =	simm.s32 $0x1BF5;
	[smem:$0x3FA9] =	sst s0  }
0x18: {  	s0 =	sld [smem:$0x3F8C];
	_ =	swait.ge [sflag:s4], $0x0  }
0x19: {  	s7 =	sld [smem:$0x3F8D]  }
0x1a: {  	s8 =	sadd.s32 $0xFFFFE003, lr  }
0x1b: {  	s9 =	sadd.s32 $0xFFFFFEF7, lr;
	s5 =	simm.s32 $0xFFFFFFFF;
	p2 =	slt.u32 s8, $0xFFFFF086  }
0x1c: {  	p1 =	slt.u32 s9, $0xF7A;
	s5 =	simm.s32 @!p2 $0x0  }
0x1d: {  	s5 =	simm.s32 @p1 $0x1;
	p0 =	seq.s32 s7, s2  }
0x1e: {  	s7 =	smul.u32 @!p0 $0xF7A, s2;
	p2 =	seq.s32 @!p0 s5, $0x0  }
0x1f: {  	s9 =	smul.u32 $0xF7A, s1;
	s8 =	simm.s32 @!p0 $0x1BF5;
	p2 =	por !p2, p0  }
0x20: {  	[sflag:s8] =	ssyncset.s32 @!p0 $0xFFFFF086;
	s6 =	sadd.s32 @!p0 s3, s7;
	s7 =	simm.s32 @!p0 $0x108  }
0x21: {  	s3 =	sadd.s32 s3, s9;
	s6 =	sadd.s32 @!p0 $0x88, s6;
	s7 =	simm.s32 @p2 $0x1082  }
0x22: {  	[simem:s7], [sflag:s8] =	dma.local @!p0 [hbm:s6], $0xF7A  }
0x23: {  	s9 =	sor.u32 $0xD0000000, s2;
	s6 =	simm.s32 $0x108;
	_ =	swait.ge @!p0 [sflag:s8], $0x0  }
0x24: {  	s3 =	sadd.s32 $0x88, s3;
	s6 =	simm.s32 @!p1 $0x1082;
	[sflag:s4] =	ssyncset.s32 $0xFFFFF086  }
0x25: {  	[simem:s6], [sflag:s4] =	dma.local [hbm:s3], $0xF7A  }
0x26: {  	[smem:$0x3F8D] =	sst s1;
	(tag) =	ssettag s2;
	_ =	strace s9  }
0x27: {  	s1 =	sld [smem:$0x3F9D]  }
0x28: {  	s2 =	sld [smem:$0x3F9E]  }
0x29: {  	s4 =	sld [smem:$0x3FA0]  }
0x2a: {  	p0 =	seq.s32 s5, $0x0;
	s5 =	sld [smem:$0x3FA1]  }
0x2b: {  	s6 =	sld [smem:$0x3FA2]  }
0x2c: {  	s7 =	sld [smem:$0x3FA3]  }
0x2d: {  	s3 =	simm.s32 $0x108;
	s8 =	sld [smem:$0x3FA4]  }
0x2e: {  	s3 =	simm.s32 @!p0 $0x1082;
	s9 =	sld [smem:$0x3FA5]  }
0x2f: {  	lr =	sadd.s32 s0, s3;
	s0 =	sld [smem:$0x3F9C]  }
0x30: {  	s3 =	sld [smem:$0x3F9F]  }
0x31: {  	[smem:$0x3FA8] =	sst s10  }
0x32: {  	s10 =	sld [smem:$0x3FA6];
	_ =	sdelay $0x3  }
0x33: {  	p0 =	seq.s32 s10, $0x1;
	s10 =	sld [smem:$0x3FA8];
	_ =	sdelay $0x3  }
0x34: {  	[smem:$0x3FA8] =	sst s10  }
0x35: {  	s10 =	sld [smem:$0x3FA7];
	_ =	sdelay $0x3  }
0x36: {  	p1 =	seq.s32 s10, $0x1;
	s10 =	sld [smem:$0x3FA8];
	_ =	sdelay $0x3  }
0x37: {  	[smem:$0x3FA8] =	sst s10  }
0x38: {  	s10 =	sld [smem:$0x3FA9]  }
0x39: {  	_ = 	snop;
	(pc) =	sbr.ind lr, $3  }
0x3a: {  	_ = 	snop  }
0x3b: {  	_ = 	snop  }
0x3c: {  	p2 =	seq.s32 s10, $0x1;
	s10 =	sld [smem:$0x3FA8]  }
0x3d: {  	_ =	shalt  }
0x3e: {  	_ =	shalt  }
0x3f: {  	_ =	shalt  }
0x40: {  	_ =	shalt  }
0x41: {  	_ =	shalt  }
0x42: {  	_ =	shalt  }
0x43: {  	_ =	shalt  }
0x44: {  	_ =	shalt  }
0x45: {  	_ =	shalt  }
0x46: {  	_ =	shalt  }
0x47: {  	_ =	shalt  }
0x48: {  	_ =	shalt  }
0x49: {  	_ =	shalt  }
0x4a: {  	_ =	shalt  }
0x4b: {  	_ =	shalt  }
0x4c: {  	_ =	shalt  }
0x4d: {  	_ =	shalt  }
0x4e: {  	_ =	shalt  }
0x4f: {  	_ =	shalt  }
0x50: {  	_ =	shalt  }
0x51: {  	_ =	shalt  }
0x52: {  	_ =	shalt  }
0x53: {  	_ =	shalt  }
0x54: {  	_ =	shalt  }
0x55: {  	_ =	shalt  }
0x56: {  	_ =	shalt  }
0x57: {  	_ =	shalt  }
0x58: {  	_ =	shalt  }
0x59: {  	_ =	shalt  }
0x5a: {  	_ =	shalt  }
0x5b: {  	_ =	shalt  }
0x5c: {  	_ =	shalt  }
0x5d: {  	_ =	shalt  }
0x5e: {  	_ =	shalt  }
0x5f: {  	_ =	shalt  }
0x60: {  	_ =	shalt  }
0x61: {  	_ =	shalt  }
0x62: {  	_ =	shalt  }
0x63: {  	_ =	shalt  }
0x64: {  	_ =	shalt  }
0x65: {  	_ =	shalt  }
0x66: {  	_ =	shalt  }
0x67: {  	_ =	shalt  }
0x68: {  	_ =	shalt  }
0x69: {  	_ =	shalt  }
0x6a: {  	_ =	shalt  }
0x6b: {  	_ =	shalt  }
0x6c: {  	_ =	shalt  }
0x6d: {  	_ =	shalt  }
0x6e: {  	_ =	shalt  }
0x6f: {  	_ =	shalt  }
0x70: {  	_ =	shalt  }
0x71: {  	_ =	shalt  }
0x72: {  	_ =	shalt  }
0x73: {  	_ =	shalt  }
0x74: {  	_ =	shalt  }
0x75: {  	_ =	shalt  }
0x76: {  	_ =	shalt  }
0x77: {  	_ =	shalt  }
0x78: {  	_ =	shalt  }
0x79: {  	_ =	shalt  }
0x7a: {  	_ =	shalt  }
0x7b: {  	_ =	shalt  }
0x7c: {  	_ =	shalt  }
0x7d: {  	_ =	shalt  }
0x7e: {  	_ =	shalt  }
0x7f: {  	_ =	shalt  }
0x80: {  	_ =	shalt  }
0x81: {  	_ =	shalt  }
0x82: {  	_ =	shalt  }
0x83: {  	_ =	shalt  }
0x84: {  	_ =	shalt  }
0x85: {  	_ =	shalt  }
0x86: {  	_ =	shalt  }
0x87: {  	_ =	shalt  }
.Lfunc_end0:
.L_simem_size_0:
called_computation.1_lowered:
.L_overlay_start_0:
0x88: {  	s2 =	sld [smem:$0x3FD9]  }
0x89: {  	s3 =	sld [smem:$0x3FFE];
	_ =	sdelay $0x1  }
0x8a: {  	s1 =	srdreg.scid  }
0x8b: {  	s0 =	sand.u32 $0x1, s1  }
0x8c: {  	s16 =	sshll.u32 s0, $0xA;
	s2 =	sadd.s32 s3, s2  }
0x8d: {  	s2 =	sadd.s32 s2, s16  }
0x8e: {  	[smem:$0x3FB4] =	sst s2  }
0x8f: {  	_ = 	snop  }
0x90: {  	(tm) =	ssettm $0x1  }
0x91: {  	s17 =	sld [smem:$0x3FFB];
	_ =	sdelay $0x3  }
0x92: {  	_ =	strace s17  }
0x93: {  	s2 =	sld [smem:$0x3FFC];
	_ =	sdelay $0x3  }
0x94: {  	_ =	strace s2  }
0x95: {  	s2 =	sld [smem:$0x3FFD];
	_ =	sdelay $0x3  }
0x96: {  	_ =	strace s2  }
0x97: {  	_ =	strace $0x8FFFFFFF  }
0x98: {  	s18 =	sld [smem:$0x3FDB];
	_ =	sdelay $0x1  }
0x99: {  	s19 =	simm.s32 $_scs_section_size  }
0x9a: {  	s4 =	simm.s32 $_size__tile_overlayer_lowered;
	s5 =	simm.s32 $_tile_overlayer_lowered  }
0x9b: {  	s22 =	simm.s32 $0x1BFF;
	s21 =	sshll.u32 s5, $0x1;
	s2 =	sadd.s32 s19, s18  }
0x9c: {  	s6 =	simm.s32 $0x0;
	s20 =	sshll.u32 s4, $0x1;
	s4 =	sadd.s32 s21, s2  }
0x9d: {  	[timem:s6], [sflag:s22] =	dma.local [hbm:s4], s20  }
0x9e: {  	_ =	swait.ge [sflag:s22], s20  }
0x9f: {  	s3 =	ssub.s32 $0x0, s20;
	[sflag:s22] =	ssyncset.done $0x0  }
0xa0: {  	[sflag:s22] =	ssyncadd.s32 s3;
	_ =	sdelay $0x1  }
0xa1: {  	s23 =	simm.s32 $0x1B8B  }
0xa2: {  	_ =	swait.ge [sflag:s23], $0x1  }
0xa3: {  	[sflag:s23] =	ssyncset.done $0x0  }
0xa4: {  	s25 =	simm.s32 $0x1B8E;
	s24 =	sld [smem:$0x3FFE];
	[sflag:s23] =	ssyncadd.s32 $0xFFFFFFFF  }
0xa5: {  	s26 =	simm.s32 $execute0_lowered;
	[smem:$0x3FD2] =	sst s25  }
0xa6: {  	s4 =	sshll.u32 s26, $0x1;
	_ =	strace $0x80000049;
	[dreg:$0x1] =	wrdreg $0xFFFFFFFF  }
0xa7: {  	s28 =	simm.s32 $_size_execute0_lowered;
	s2 =	sadd.s32 s2, s4;
	[dreg:$0x0] =	wrdreg $0x0  }
0xa8: {  	s4 =	sshll.u32 s28, $0x1;
	[dreg:$0x2] =	wrdreg s2  }
0xa9: {  	[dreg:$0x3] =	wrdreg s4  }
0xaa: {  	[dreg:$0x4] =	wrdreg $0xC0  }
0xab: {  	_ =	task [dreg:s6], $0x5FFFF  }
0xac: {  	[dreg:$0x1] =	wrdreg $0xFFFFFFFF  }
0xad: {  	[dreg:$0x0] =	wrdreg $0x60  }
0xae: {  	[dreg:$0x2] =	wrdreg s24  }
0xaf: {  	[dreg:$0x3] =	wrdreg $0x29000  }
0xb0: {  	[dreg:$0x4] =	wrdreg $0x9  }
0xb1: {  	_ =	task.clear_ibuf [dreg:s6], $0x5FFFF;
	_ =	strace $0x90000049  }
0xb2: {  	s29 =	simm.s32 $0x9;
	_ =	strace $0x8000004B  }
0xb3: {  	_ =	swait.ge [sflag:s29], $0x1  }
0xb4: {  	[sflag:s29] =	ssyncadd.s32 $0xFFFFFFFF  }
0xb5: {  	_ =	strace $0x9000004B  }
0xb6: {  	_ =	sfence  }
0xb7: {  	s30 =	sld [smem:$0x0];
	_ =	sdelay $0x2  }
0xb8: {  	s31 =	sshll.u32 s1, $0xD;
	s1 =	sshrl.u32 s1, $0x2  }
0xb9: {  	s3 =	sand.u32 $0x4000, s31;
	s1 =	sadd.s32 s1, s30  }
0xba: {  	s0 =	sor.u32 s3, s0;
	s1 =	sshll.u32 s1, $0x11  }
0xbb: {  	s0 =	sor.u32 s1, s0  }
0xbc: {  	s0 =	sadd.s32 $0x8F2B, s0  }
0xbd: {  	[sflag:s0] =	ssyncadd.remote.s32 $0x1  }
0xbe: {  	_ =	sfence.sel $0xFFFF  }
0xbf: {  	[dreg:$0x0] =	wrdreg $0xFFFFFFFF;
	(pc) =	sbr.abs _section_cstart, $3  }
0xc0: {  	[dreg:$0x1] =	wrdreg $0xFFFFFFFF  }
0xc1: {  	_ =	task.clear_ibuf [dreg:s6], $0x2FFFF;
	_ =	strace $0x9FFFFFFF  }
0xc2: {  	(tm) =	ssettm $0x7FFFFFFF  }
0xc3: {  	_ =	shalt  }
tec
execute0_lowered:
.L_overlay_start_1:
0x0: {  	(tag) =	ssettag $0x1  }
0x1: {  	s5 =	rddreg [dreg:$0x0]  }
0x2: {  	s0 =	srdreg.scid;
	s7 =	stileid.u32  }
0x3: {  	s1 =	rddreg [dreg:$0x1];
	s2 =	simm.s32 $0x0;
	s11 =	simm.s32 $0x80  }
0x4: {  	s12 =	simm.s32 $0x50;
	s13 =	simm.s32 $0x100;
	s14 =	simm.s32 $0x1  }
0x5: {  	s3 =	sand.u32 $0x1, s0;
	s4 =	smul.u32 $0x4E20, s7;
	s0 =	rddreg [dreg:$0x2]  }
0x6: {  	s15 =	simm.s32 $0x0;
	[smem:$0x7FF] =	sst s2;
	s6 =	smul.u32 $0x2710, s3  }
0x7: {  	p0 =	sne.s32 s7, $0x0;
	_ =	strace $0x8000004A;
	s8 =	ssub.s32 $0x2, s3  }
0x8: {  	s30 =	smul.u32 $0x27100, s3;
	s10 =	sshrl.u32 s8, $0x1;
	s4 =	sadd.s32 s6, s4  }
0x9: {  	s3 =	sadd.s32 $0x40E00, s5;
	s31 =	ssub.s32 s8, s10;
	s4 =	sshrl.u32 s4, $0x3  }
0xa: {  	s9 =	sadd.s32 s4, s5;
	s4 =	sadd.s32 $0x19C00, s5;
	s5 =	sadd.s32 s30, s5  }
0xb: {  	s10 =	simm.s32 $0x2;
	s6 =	smax.u32 s31, $0x1;
	s5 =	sadd.s32 $0x8F200, s5  }
0xc: {  	s7 =	sadd.s32 $0xFE00, s9;
	s8 =	sadd.s32 $0x6000, s9;
	s9 =	sshrl.u32 @!p0 s1, $0x3  }
.LBB2_1:
0xd: {  	s16 =	simm.s32 @!p0 $0x1C02  }
0xe: {  	[spmem:s9], [sflag:s16] =	dma.local @!p0 [hbm:s4], $0x27100  }
0xf: {  	s16 =	simm.s32 @!p0 $0x2  }
0x10: {  	_ =	swait.ge @!p0 [sflag:s16], $0x27100  }
0x11: {  	[sflag:s16] =	ssyncset.done @!p0 $0x0  }
0x12: {  	[sflag:s16] =	ssyncadd.s32 @!p0 $0xFFFD8F00  }
0x13: {  	s30 =	sadd.s32 $0x0, s8;
	[bflag:$0x0] =	sbarrier.arrive $0xFFFF  }
0x14: {  	[tilespmem:s2], [sflag:$0x2] =	stream.linear.gather [hbm4b:s30+s2], $0x50, $0x38;
	[tilespmem:$0x16180] =	vst v63  }
0x15: {  	_ =	swait.ge [sflag:s10], $0x50  }
0x16: {  	[sflag:s10] =	ssyncset.done $0x0  }
0x17: {  	s31 =	sadd.s32 $0x0, s7;
	[sflag:s10] =	ssyncadd.s32 $0xFFFFFFB0  }
0x18: {  	[tilespmem:s11], [sflag:$0x2] =	stream.linear.gather [hbm4b:s31+s2], $0x50, $0x38;
	[tilespmem:$0x16180] =	vst v63  }
0x19: {  	_ =	swait.ge [sflag:s10], $0x50  }
0x1a: {  	[sflag:s10] =	ssyncset.done $0x0  }
0x1b: {  	[sflag:s10] =	ssyncadd.s32 $0xFFFFFFB0  }
0x1c: {  	[tilespmem:s13], [sflag:$0x1] =	stream.indirect.gather [hbm4b:s3+s12], $0x80, s2, s12, $0xb8;
	[tilespmem:$0x16180] =	vst v63  }
0x1d: {  	_ =	swait.ge [sflag:s14], $0x2800  }
0x1e: {  	[sflag:s14] =	ssyncset.done $0x0  }
0x1f: {  	[sflag:s14] =	ssyncadd.s32 $0xFFFFD800  }
0x20: {  	[spmem:s1] =	stream.indirect.scatter.add.f32 [tilespmem:s13], [sflag:$0x2], $0x80, s11, s12, $0xb8;
	[tilespmem:$0x16180] =	vst v63  }
0x21: {  	_ =	swait.ge [sflag:s10], $0x2800  }
0x22: {  	s17 =	simm.s32 $0x14;
	s16 =	simm.s32 $0xA;
	[sflag:s10] =	ssyncset.done $0x0  }
.LBB2_2:
0x23: {  	s18 =	sadd.s32 s16, s8  }
0x24: {  	[sflag:s10] =	ssyncadd.s32 $0xFFFFD800;
	s19 =	smov.u32 s17;
	s20 =	sadd.s32 $0xA, s17  }
0x25: {  	[tilespmem:s2], [sflag:$0x2] =	stream.linear.gather [hbm4b:s18+s2], $0x50, $0x38;
	[tilespmem:$0x16180] =	vst v63  }
0x26: {  	p1 =	sne.s32 s17, $0x4D8;
	_ =	swait.ge [sflag:s10], $0x50  }
0x27: {  	[sflag:s10] =	ssyncset.done $0x0  }
0x28: {  	s17 =	sadd.s32 s16, s7;
	s16 =	smov.u32 s19;
	[sflag:s10] =	ssyncadd.s32 $0xFFFFFFB0  }
0x29: {  	[tilespmem:s11], [sflag:$0x2] =	stream.linear.gather [hbm4b:s17+s2], $0x50, $0x38;
	[tilespmem:$0x16180] =	vst v63  }
0x2a: {  	_ =	swait.ge [sflag:s10], $0x50  }
0x2b: {  	[sflag:s10] =	ssyncset.done $0x0  }
0x2c: {  	[sflag:s10] =	ssyncadd.s32 $0xFFFFFFB0  }
0x2d: {  	[tilespmem:s13], [sflag:$0x1] =	stream.indirect.gather [hbm4b:s3+s12], $0x80, s2, s12, $0xb8;
	[tilespmem:$0x16180] =	vst v63  }
0x2e: {  	_ =	swait.ge [sflag:s14], $0x2800  }
.Ltmp0:
0x2f: {  	[sflag:s14] =	ssyncset.done $0x0;
	(pc) =	sbr.rel @p1 .LBB2_2-.Ltmp0, $4  }
0x30: {  	[sflag:s14] =	ssyncadd.s32 $0xFFFFD800  }
0x31: {  	[spmem:s1] =	stream.indirect.scatter.add.f32 [tilespmem:s13], [sflag:$0x2], $0x80, s11, s12, $0xb8;
	[tilespmem:$0x16180] =	vst v63  }
0x32: {  	_ =	swait.ge [sflag:s10], $0x2800  }
0x33: {  	s17 =	smov.u32 s20;
	[sflag:s10] =	ssyncset.done $0x0  }
0x34: {  	s17 =	sadd.s32 s16, s8;
	[sflag:s10] =	ssyncadd.s32 $0xFFFFD800  }
0x35: {  	[tilespmem:s2], [sflag:$0x2] =	stream.linear.gather [hbm4b:s17+s2], $0x50, $0x38;
	[tilespmem:$0x16180] =	vst v63  }
0x36: {  	_ =	swait.ge [sflag:s10], $0x50  }
0x37: {  	[sflag:s10] =	ssyncset.done $0x0  }
0x38: {  	s31 =	sadd.s32 s16, s7;
	[sflag:s10] =	ssyncadd.s32 $0xFFFFFFB0  }
0x39: {  	[tilespmem:s11], [sflag:$0x2] =	stream.linear.gather [hbm4b:s31+s2], $0x50, $0x38;
	[tilespmem:$0x16180] =	vst v63  }
0x3a: {  	_ =	swait.ge [sflag:s10], $0x50  }
0x3b: {  	[sflag:s10] =	ssyncset.done $0x0  }
0x3c: {  	[sflag:s10] =	ssyncadd.s32 $0xFFFFFFB0  }
0x3d: {  	[tilespmem:s13], [sflag:$0x1] =	stream.indirect.gather [hbm4b:s3+s12], $0x80, s2, s12, $0xb8;
	[tilespmem:$0x16180] =	vst v63  }
0x3e: {  	_ =	swait.ge [sflag:s14], $0x2800  }
0x3f: {  	[sflag:s14] =	ssyncset.done $0x0  }
0x40: {  	[sflag:s14] =	ssyncadd.s32 $0xFFFFD800  }
0x41: {  	[spmem:s1] =	stream.indirect.scatter.add.f32 [tilespmem:s13], [sflag:$0x2], $0x80, s11, s12, $0xb8;
	[tilespmem:$0x16180] =	vst v63  }
0x42: {  	_ =	swait.ge [sflag:s10], $0x2800  }
0x43: {  	[sflag:s10] =	ssyncset.done $0x0  }
0x44: {  	s15 =	sadd.s32 $0x1, s15;
	[sflag:s10] =	ssyncadd.s32 $0xFFFFD800  }
0x45: {  	s16 =	simm.s32 @!p0 $0x1C02;
	p1 =	sne.s32 s15, s6;
	[bflag:$0x0] =	sbarrier.arrive $0xFFFF  }
0x46: {  	[hbm:s5], [sflag:s16] =	dma.local @!p0 [spmem:s9], $0x27100  }
.Ltmp1:
0x47: {  	_ = 	snop;
	(pc) =	sbr.rel @p1 .LBB2_1-.Ltmp1, $4  }
0x48: {  	s16 =	simm.s32 @!p0 $0x2  }
0x49: {  	_ =	swait.ge @!p0 [sflag:s16], $0x27100  }
0x4a: {  	[sflag:s16] =	ssyncset.done @!p0 $0x0  }
0x4b: {  	[sflag:s16] =	ssyncadd.s32 @!p0 $0xFFFD8F00  }
0x4c: {  	_ =	sfence.sel $0x180000  }
0x4d: {  	[bflag:$0x0] =	sbarrier.arrive $0xFFFF  }
0x4e: {  	_ =	strace $0x9000004A  }
0x4f: {  	s0 =	sadd.s32 @!p0 $0x100000, s0;
	[bflag:$0x2] =	sbarrier.arrive $0xFFFF  }
0x50: {  	[sflag:s0] =	ssyncadd.tile.s32 @!p0 $0x1;
	_ =	shalt  }
.Lfunc_end2:
_tile_overlayer_lowered:
.L_overlay_start_2:
0x51: {  	(tag) =	ssettag $0x2  }
0x52: {  	s0 =	rddreg [dreg:$0x0];
	s2 =	stileid.u32  }
0x53: {  	s1 =	rddreg [dreg:$0x1];
	p0 =	sne.s32 s2, $0x0  }
0x54: {  	s3 =	rddreg [dreg:$0x2];
	[bflag:$0x3] =	sbarrier.arrive $0xFFFF;
	s2 =	simm.s32 @!p0 $0x1C02  }
0x55: {  	[timem:s3], [sflag:s2] =	dma.local @!p0 [hbm:s0], s1  }
0x56: {  	s0 =	simm.s32 @!p0 $0x2  }
0x57: {  	_ =	swait.ge @!p0 [sflag:s0], s1  }
0x58: {  	s1 =	ssub.s32 @!p0 $0x0, s1;
	[sflag:s0] =	ssyncset.done @!p0 $0x0  }
0x59: {  	[sflag:s0] =	ssyncadd.s32 @!p0 s1  }
0x5a: {  	[bflag:$0x3] =	sbarrier.arrive $0xFFFF  }
0x5b: {  	_ =	shalt  }

// kernel: kernel.17.cloned.1.call-start
scs
__scs_entry_jumppad:
0x0: {  	(pc) =	sbr.rel $0x88, $3  }
0x1: {  	(tag) =	ssettag $0x0;
	lr =	simm.s32 $0x1  }
0x2: {  	[smem:$0x3F8D] =	sst lr;
	_ =	strace $0xD0000000  }
0x3: {  	_ = 	snop  }
0x4: {  	_ = 	snop  }
0x5: {  	_ = 	snop  }
0x6: {  	_ = 	snop  }
0x7: {  	_ = 	snop  }
__scs_overlays_trampoline_lowered:
0x8: {  	[smem:$0x3F9C] =	sst s0  }
0x9: {  	[smem:$0x3F9D] =	sst s1  }
0xa: {  	[smem:$0x3F9E] =	sst s2  }
0xb: {  	[smem:$0x3F9F] =	sst s3  }
0xc: {  	[smem:$0x3FA0] =	sst s4  }
0xd: {  	[smem:$0x3FA1] =	sst s5  }
0xe: {  	[smem:$0x3FA2] =	sst s6  }
0xf: {  	[smem:$0x3FA3] =	sst s7  }
0x10: {  	[smem:$0x3FA4] =	sst s8  }
0x11: {  	[smem:$0x3FA5] =	sst s9;
	s0 =	simm.s32 @!p0 $0x0  }
0x12: {  	s1 =	sld [smem:$0x3F8B];
	s0 =	simm.s32 @p0 $0x1  }
0x13: {  	[smem:$0x3FA6] =	sst s0;
	s0 =	simm.s32 @!p1 $0x0  }
0x14: {  	s2 =	sld [smem:$0x3F8A];
	s0 =	simm.s32 @p1 $0x1  }
0x15: {  	[smem:$0x3FA7] =	sst s0;
	s0 =	simm.s32 @!p2 $0x0  }
0x16: {  	s3 =	sld [smem:$0x3FDB];
	s0 =	simm.s32 @p2 $0x1  }
0x17: {  	s4 =	simm.s32 $0x1BF5;
	[smem:$0x3FA9] =	sst s0  }
0x18: {  	s0 =	sld [smem:$0x3F8C];
	_ =	swait.ge [sflag:s4], $0x0  }
0x19: {  	s7 =	sld [smem:$0x3F8D]  }
0x1a: {  	s8 =	sadd.s32 $0xFFFFE003, lr  }
0x1b: {  	s9 =	sadd.s32 $0xFFFFFEF7, lr;
	s5 =	simm.s32 $0xFFFFFFFF;
	p2 =	slt.u32 s8, $0xFFFFF086  }
0x1c: {  	p1 =	slt.u32 s9, $0xF7A;
	s5 =	simm.s32 @!p2 $0x0  }
0x1d: {  	s5 =	simm.s32 @p1 $0x1;
	p0 =	seq.s32 s7, s2  }
0x1e: {  	s7 =	smul.u32 @!p0 $0xF7A, s2;
	p2 =	seq.s32 @!p0 s5, $0x0  }
0x1f: {  	s9 =	smul.u32 $0xF7A, s1;
	s8 =	simm.s32 @!p0 $0x1BF5;
	p2 =	por !p2, p0  }
0x20: {  	[sflag:s8] =	ssyncset.s32 @!p0 $0xFFFFF086;
	s6 =	sadd.s32 @!p0 s3, s7;
	s7 =	simm.s32 @!p0 $0x108  }
0x21: {  	s3 =	sadd.s32 s3, s9;
	s6 =	sadd.s32 @!p0 $0x88, s6;
	s7 =	simm.s32 @p2 $0x1082  }
0x22: {  	[simem:s7], [sflag:s8] =	dma.local @!p0 [hbm:s6], $0xF7A  }
0x23: {  	s9 =	sor.u32 $0xD0000000, s2;
	s6 =	simm.s32 $0x108;
	_ =	swait.ge @!p0 [sflag:s8], $0x0  }
0x24: {  	s3 =	sadd.s32 $0x88, s3;
	s6 =	simm.s32 @!p1 $0x1082;
	[sflag:s4] =	ssyncset.s32 $0xFFFFF086  }
0x25: {  	[simem:s6], [sflag:s4] =	dma.local [hbm:s3], $0xF7A  }
0x26: {  	[smem:$0x3F8D] =	sst s1;
	(tag) =	ssettag s2;
	_ =	strace s9  }
0x27: {  	s1 =	sld [smem:$0x3F9D]  }
0x28: {  	s2 =	sld [smem:$0x3F9E]  }
0x29: {  	s4 =	sld [smem:$0x3FA0]  }
0x2a: {  	p0 =	seq.s32 s5, $0x0;
	s5 =	sld [smem:$0x3FA1]  }
0x2b: {  	s6 =	sld [smem:$0x3FA2]  }
0x2c: {  	s7 =	sld [smem:$0x3FA3]  }
0x2d: {  	s3 =	simm.s32 $0x108;
	s8 =	sld [smem:$0x3FA4]  }
0x2e: {  	s3 =	simm.s32 @!p0 $0x1082;
	s9 =	sld [smem:$0x3FA5]  }
0x2f: {  	lr =	sadd.s32 s0, s3;
	s0 =	sld [smem:$0x3F9C]  }
0x30: {  	s3 =	sld [smem:$0x3F9F]  }
0x31: {  	[smem:$0x3FA8] =	sst s10  }
0x32: {  	s10 =	sld [smem:$0x3FA6];
	_ =	sdelay $0x3  }
0x33: {  	p0 =	seq.s32 s10, $0x1;
	s10 =	sld [smem:$0x3FA8];
	_ =	sdelay $0x3  }
0x34: {  	[smem:$0x3FA8] =	sst s10  }
0x35: {  	s10 =	sld [smem:$0x3FA7];
	_ =	sdelay $0x3  }
0x36: {  	p1 =	seq.s32 s10, $0x1;
	s10 =	sld [smem:$0x3FA8];
	_ =	sdelay $0x3  }
0x37: {  	[smem:$0x3FA8] =	sst s10  }
0x38: {  	s10 =	sld [smem:$0x3FA9]  }
0x39: {  	_ = 	snop;
	(pc) =	sbr.ind lr, $3  }
0x3a: {  	_ = 	snop  }
0x3b: {  	_ = 	snop  }
0x3c: {  	p2 =	seq.s32 s10, $0x1;
	s10 =	sld [smem:$0x3FA8]  }
0x3d: {  	_ =	shalt  }
0x3e: {  	_ =	shalt  }
0x3f: {  	_ =	shalt  }
0x40: {  	_ =	shalt  }
0x41: {  	_ =	shalt  }
0x42: {  	_ =	shalt  }
0x43: {  	_ =	shalt  }
0x44: {  	_ =	shalt  }
0x45: {  	_ =	shalt  }
0x46: {  	_ =	shalt  }
0x47: {  	_ =	shalt  }
0x48: {  	_ =	shalt  }
0x49: {  	_ =	shalt  }
0x4a: {  	_ =	shalt  }
0x4b: {  	_ =	shalt  }
0x4c: {  	_ =	shalt  }
0x4d: {  	_ =	shalt  }
0x4e: {  	_ =	shalt  }
0x4f: {  	_ =	shalt  }
0x50: {  	_ =	shalt  }
0x51: {  	_ =	shalt  }
0x52: {  	_ =	shalt  }
0x53: {  	_ =	shalt  }
0x54: {  	_ =	shalt  }
0x55: {  	_ =	shalt  }
0x56: {  	_ =	shalt  }
0x57: {  	_ =	shalt  }
0x58: {  	_ =	shalt  }
0x59: {  	_ =	shalt  }
0x5a: {  	_ =	shalt  }
0x5b: {  	_ =	shalt  }
0x5c: {  	_ =	shalt  }
0x5d: {  	_ =	shalt  }
0x5e: {  	_ =	shalt  }
0x5f: {  	_ =	shalt  }
0x60: {  	_ =	shalt  }
0x61: {  	_ =	shalt  }
0x62: {  	_ =	shalt  }
0x63: {  	_ =	shalt  }
0x64: {  	_ =	shalt  }
0x65: {  	_ =	shalt  }
0x66: {  	_ =	shalt  }
0x67: {  	_ =	shalt  }
0x68: {  	_ =	shalt  }
0x69: {  	_ =	shalt  }
0x6a: {  	_ =	shalt  }
0x6b: {  	_ =	shalt  }
0x6c: {  	_ =	shalt  }
0x6d: {  	_ =	shalt  }
0x6e: {  	_ =	shalt  }
0x6f: {  	_ =	shalt  }
0x70: {  	_ =	shalt  }
0x71: {  	_ =	shalt  }
0x72: {  	_ =	shalt  }
0x73: {  	_ =	shalt  }
0x74: {  	_ =	shalt  }
0x75: {  	_ =	shalt  }
0x76: {  	_ =	shalt  }
0x77: {  	_ =	shalt  }
0x78: {  	_ =	shalt  }
0x79: {  	_ =	shalt  }
0x7a: {  	_ =	shalt  }
0x7b: {  	_ =	shalt  }
0x7c: {  	_ =	shalt  }
0x7d: {  	_ =	shalt  }
0x7e: {  	_ =	shalt  }
0x7f: {  	_ =	shalt  }
0x80: {  	_ =	shalt  }
0x81: {  	_ =	shalt  }
0x82: {  	_ =	shalt  }
0x83: {  	_ =	shalt  }
0x84: {  	_ =	shalt  }
0x85: {  	_ =	shalt  }
0x86: {  	_ =	shalt  }
0x87: {  	_ =	shalt  }
.Lfunc_end0:
.L_simem_size_0:
called_computation.2_lowered:
.L_overlay_start_0:
0x88: {  	s2 =	sld [smem:$0x3FD9]  }
0x89: {  	s3 =	sld [smem:$0x3FFE];
	_ =	sdelay $0x1  }
0x8a: {  	s1 =	srdreg.scid  }
0x8b: {  	s0 =	sand.u32 $0x1, s1  }
0x8c: {  	s16 =	sshll.u32 s0, $0xA;
	s2 =	sadd.s32 s3, s2  }
0x8d: {  	s2 =	sadd.s32 s2, s16  }
0x8e: {  	[smem:$0x3FB4] =	sst s2  }
0x8f: {  	_ = 	snop  }
0x90: {  	(tm) =	ssettm $0x1  }
0x91: {  	s17 =	sld [smem:$0x3FFB];
	_ =	sdelay $0x3  }
0x92: {  	_ =	strace s17  }
0x93: {  	s2 =	sld [smem:$0x3FFC];
	_ =	sdelay $0x3  }
0x94: {  	_ =	strace s2  }
0x95: {  	s2 =	sld [smem:$0x3FFD];
	_ =	sdelay $0x3  }
0x96: {  	_ =	strace s2  }
0x97: {  	_ =	strace $0x8FFFFFFF  }
0x98: {  	s18 =	sld [smem:$0x3FDB];
	_ =	sdelay $0x1  }
0x99: {  	s19 =	simm.s32 $_scs_section_size  }
0x9a: {  	s4 =	simm.s32 $_size__tile_overlayer_lowered;
	s5 =	simm.s32 $_tile_overlayer_lowered  }
0x9b: {  	s22 =	simm.s32 $0x1BFF;
	s21 =	sshll.u32 s5, $0x1;
	s2 =	sadd.s32 s19, s18  }
0x9c: {  	s6 =	simm.s32 $0x0;
	s20 =	sshll.u32 s4, $0x1;
	s4 =	sadd.s32 s21, s2  }
0x9d: {  	[timem:s6], [sflag:s22] =	dma.local [hbm:s4], s20  }
0x9e: {  	_ =	swait.ge [sflag:s22], s20  }
0x9f: {  	s3 =	ssub.s32 $0x0, s20;
	[sflag:s22] =	ssyncset.done $0x0  }
0xa0: {  	[sflag:s22] =	ssyncadd.s32 s3;
	_ =	sdelay $0x1  }
0xa1: {  	s23 =	simm.s32 $0x1B8B  }
0xa2: {  	_ =	swait.ge [sflag:s23], $0x1  }
0xa3: {  	[sflag:s23] =	ssyncset.done $0x0  }
0xa4: {  	s25 =	simm.s32 $0x1B8E;
	s24 =	sld [smem:$0x3FFE];
	[sflag:s23] =	ssyncadd.s32 $0xFFFFFFFF  }
0xa5: {  	s26 =	simm.s32 $execute0_lowered;
	[smem:$0x3FD2] =	sst s25  }
0xa6: {  	s4 =	sshll.u32 s26, $0x1;
	_ =	strace $0x8000004C;
	[dreg:$0x1] =	wrdreg $0xFFFFFFFF  }
0xa7: {  	s28 =	simm.s32 $_size_execute0_lowered;
	s2 =	sadd.s32 s2, s4;
	[dreg:$0x0] =	wrdreg $0x0  }
0xa8: {  	s4 =	sshll.u32 s28, $0x1;
	[dreg:$0x2] =	wrdreg s2  }
0xa9: {  	[dreg:$0x3] =	wrdreg s4  }
0xaa: {  	[dreg:$0x4] =	wrdreg $0xC0  }
0xab: {  	_ =	task [dreg:s6], $0x5FFFF  }
0xac: {  	[dreg:$0x1] =	wrdreg $0xFFFFFFFF  }
0xad: {  	[dreg:$0x0] =	wrdreg $0x60  }
0xae: {  	[dreg:$0x2] =	wrdreg s24  }
0xaf: {  	[dreg:$0x3] =	wrdreg $0x29000  }
0xb0: {  	[dreg:$0x4] =	wrdreg $0x9  }
0xb1: {  	_ =	task.clear_ibuf [dreg:s6], $0x5FFFF;
	_ =	strace $0x9000004C  }
0xb2: {  	s29 =	simm.s32 $0x9;
	_ =	strace $0x8000004E  }
0xb3: {  	_ =	swait.ge [sflag:s29], $0x1  }
0xb4: {  	[sflag:s29] =	ssyncadd.s32 $0xFFFFFFFF  }
0xb5: {  	_ =	strace $0x9000004E  }
0xb6: {  	_ =	sfence  }
0xb7: {  	s30 =	sld [smem:$0x0];
	_ =	sdelay $0x2  }
0xb8: {  	s31 =	sshll.u32 s1, $0xD;
	s1 =	sshrl.u32 s1, $0x2  }
0xb9: {  	s3 =	sand.u32 $0x4000, s31;
	s1 =	sadd.s32 s1, s30  }
0xba: {  	s0 =	sor.u32 s3, s0;
	s1 =	sshll.u32 s1, $0x11  }
0xbb: {  	s0 =	sor.u32 s1, s0  }
0xbc: {  	s0 =	sadd.s32 $0x8F2B, s0  }
0xbd: {  	[sflag:s0] =	ssyncadd.remote.s32 $0x1  }
0xbe: {  	_ =	sfence.sel $0xFFFF  }
0xbf: {  	[dreg:$0x0] =	wrdreg $0xFFFFFFFF;
	(pc) =	sbr.abs _section_cstart, $3  }
0xc0: {  	[dreg:$0x1] =	wrdreg $0xFFFFFFFF  }
0xc1: {  	_ =	task.clear_ibuf [dreg:s6], $0x2FFFF;
	_ =	strace $0x9FFFFFFF  }
0xc2: {  	(tm) =	ssettm $0x7FFFFFFF  }
0xc3: {  	_ =	shalt  }
tec
execute0_lowered:
.L_overlay_start_1:
0x0: {  	(tag) =	ssettag $0x1  }
0x1: {  	s5 =	rddreg [dreg:$0x0]  }
0x2: {  	s0 =	srdreg.scid;
	s7 =	stileid.u32  }
0x3: {  	s1 =	rddreg [dreg:$0x1];
	s2 =	simm.s32 $0x0;
	s11 =	simm.s32 $0x80  }
0x4: {  	s12 =	simm.s32 $0x50;
	s13 =	simm.s32 $0x100;
	s14 =	simm.s32 $0x1  }
0x5: {  	s3 =	sand.u32 $0x1, s0;
	s4 =	smul.u32 $0x4E20, s7;
	s0 =	rddreg [dreg:$0x2]  }
0x6: {  	s15 =	simm.s32 $0x0;
	[smem:$0x7FF] =	sst s2;
	s6 =	smul.u32 $0x2710, s3  }
0x7: {  	p0 =	sne.s32 s7, $0x0;
	_ =	strace $0x8000004D;
	s8 =	ssub.s32 $0x2, s3  }
0x8: {  	s30 =	smul.u32 $0x27100, s3;
	s10 =	sshrl.u32 s8, $0x1;
	s4 =	sadd.s32 s6, s4  }
0x9: {  	s3 =	sadd.s32 $0x40E00, s5;
	s31 =	ssub.s32 s8, s10;
	s4 =	sshrl.u32 s4, $0x3  }
0xa: {  	s9 =	sadd.s32 s4, s5;
	s4 =	sadd.s32 $0x19C00, s5;
	s5 =	sadd.s32 s30, s5  }
0xb: {  	s10 =	simm.s32 $0x2;
	s6 =	smax.u32 s31, $0x1;
	s5 =	sadd.s32 $0x8F200, s5  }
0xc: {  	s7 =	sadd.s32 $0xFE00, s9;
	s8 =	sadd.s32 $0x6000, s9;
	s9 =	sshrl.u32 @!p0 s1, $0x3  }
.LBB2_1:
0xd: {  	s16 =	simm.s32 @!p0 $0x1C02  }
0xe: {  	[spmem:s9], [sflag:s16] =	dma.local @!p0 [hbm:s4], $0x27100  }
0xf: {  	s16 =	simm.s32 @!p0 $0x2  }
0x10: {  	_ =	swait.ge @!p0 [sflag:s16], $0x27100  }
0x11: {  	[sflag:s16] =	ssyncset.done @!p0 $0x0  }
0x12: {  	[sflag:s16] =	ssyncadd.s32 @!p0 $0xFFFD8F00  }
0x13: {  	s30 =	sadd.s32 $0x0, s8;
	[bflag:$0x0] =	sbarrier.arrive $0xFFFF  }
0x14: {  	[tilespmem:s2], [sflag:$0x2] =	stream.linear.gather [hbm4b:s30+s2], $0x50, $0x38;
	[tilespmem:$0x16180] =	vst v63  }
0x15: {  	_ =	swait.ge [sflag:s10], $0x50  }
0x16: {  	[sflag:s10] =	ssyncset.done $0x0  }
0x17: {  	s31 =	sadd.s32 $0x0, s7;
	[sflag:s10] =	ssyncadd.s32 $0xFFFFFFB0  }
0x18: {  	[tilespmem:s11], [sflag:$0x2] =	stream.linear.gather [hbm4b:s31+s2], $0x50, $0x38;
	[tilespmem:$0x16180] =	vst v63  }
0x19: {  	_ =	swait.ge [sflag:s10], $0x50  }
0x1a: {  	[sflag:s10] =	ssyncset.done $0x0  }
0x1b: {  	[sflag:s10] =	ssyncadd.s32 $0xFFFFFFB0  }
0x1c: {  	[tilespmem:s13], [sflag:$0x1] =	stream.indirect.gather [hbm4b:s3+s12], $0x80, s2, s12, $0xb8;
	[tilespmem:$0x16180] =	vst v63  }
0x1d: {  	_ =	swait.ge [sflag:s14], $0x2800  }
0x1e: {  	[sflag:s14] =	ssyncset.done $0x0  }
0x1f: {  	[sflag:s14] =	ssyncadd.s32 $0xFFFFD800  }
0x20: {  	[spmem:s1] =	stream.indirect.scatter.add.f32 [tilespmem:s13], [sflag:$0x2], $0x80, s11, s12, $0xb8;
	[tilespmem:$0x16180] =	vst v63  }
0x21: {  	_ =	swait.ge [sflag:s10], $0x2800  }
0x22: {  	s17 =	simm.s32 $0x14;
	s16 =	simm.s32 $0xA;
	[sflag:s10] =	ssyncset.done $0x0  }
.LBB2_2:
0x23: {  	s18 =	sadd.s32 s16, s8  }
0x24: {  	[sflag:s10] =	ssyncadd.s32 $0xFFFFD800;
	s19 =	smov.u32 s17;
	s20 =	sadd.s32 $0xA, s17  }
0x25: {  	[tilespmem:s2], [sflag:$0x2] =	stream.linear.gather [hbm4b:s18+s2], $0x50, $0x38;
	[tilespmem:$0x16180] =	vst v63  }
0x26: {  	p1 =	sne.s32 s17, $0x4D8;
	_ =	swait.ge [sflag:s10], $0x50  }
0x27: {  	[sflag:s10] =	ssyncset.done $0x0  }
0x28: {  	s17 =	sadd.s32 s16, s7;
	s16 =	smov.u32 s19;
	[sflag:s10] =	ssyncadd.s32 $0xFFFFFFB0  }
0x29: {  	[tilespmem:s11], [sflag:$0x2] =	stream.linear.gather [hbm4b:s17+s2], $0x50, $0x38;
	[tilespmem:$0x16180] =	vst v63  }
0x2a: {  	_ =	swait.ge [sflag:s10], $0x50  }
0x2b: {  	[sflag:s10] =	ssyncset.done $0x0  }
0x2c: {  	[sflag:s10] =	ssyncadd.s32 $0xFFFFFFB0  }
0x2d: {  	[tilespmem:s13], [sflag:$0x1] =	stream.indirect.gather [hbm4b:s3+s12], $0x80, s2, s12, $0xb8;
	[tilespmem:$0x16180] =	vst v63  }
0x2e: {  	_ =	swait.ge [sflag:s14], $0x2800  }
.Ltmp0:
0x2f: {  	[sflag:s14] =	ssyncset.done $0x0;
	(pc) =	sbr.rel @p1 .LBB2_2-.Ltmp0, $4  }
0x30: {  	[sflag:s14] =	ssyncadd.s32 $0xFFFFD800  }
0x31: {  	[spmem:s1] =	stream.indirect.scatter.add.f32 [tilespmem:s13], [sflag:$0x2], $0x80, s11, s12, $0xb8;
	[tilespmem:$0x16180] =	vst v63  }
0x32: {  	_ =	swait.ge [sflag:s10], $0x2800  }
0x33: {  	s17 =	smov.u32 s20;
	[sflag:s10] =	ssyncset.done $0x0  }
0x34: {  	s17 =	sadd.s32 s16, s8;
	[sflag:s10] =	ssyncadd.s32 $0xFFFFD800  }
0x35: {  	[tilespmem:s2], [sflag:$0x2] =	stream.linear.gather [hbm4b:s17+s2], $0x50, $0x38;
	[tilespmem:$0x16180] =	vst v63  }
0x36: {  	_ =	swait.ge [sflag:s10], $0x50  }
0x37: {  	[sflag:s10] =	ssyncset.done $0x0  }
0x38: {  	s31 =	sadd.s32 s16, s7;
	[sflag:s10] =	ssyncadd.s32 $0xFFFFFFB0  }
0x39: {  	[tilespmem:s11], [sflag:$0x2] =	stream.linear.gather [hbm4b:s31+s2], $0x50, $0x38;
	[tilespmem:$0x16180] =	vst v63  }
0x3a: {  	_ =	swait.ge [sflag:s10], $0x50  }
0x3b: {  	[sflag:s10] =	ssyncset.done $0x0  }
0x3c: {  	[sflag:s10] =	ssyncadd.s32 $0xFFFFFFB0  }
0x3d: {  	[tilespmem:s13], [sflag:$0x1] =	stream.indirect.gather [hbm4b:s3+s12], $0x80, s2, s12, $0xb8;
	[tilespmem:$0x16180] =	vst v63  }
0x3e: {  	_ =	swait.ge [sflag:s14], $0x2800  }
0x3f: {  	[sflag:s14] =	ssyncset.done $0x0  }
0x40: {  	[sflag:s14] =	ssyncadd.s32 $0xFFFFD800  }
0x41: {  	[spmem:s1] =	stream.indirect.scatter.add.f32 [tilespmem:s13], [sflag:$0x2], $0x80, s11, s12, $0xb8;
	[tilespmem:$0x16180] =	vst v63  }
0x42: {  	_ =	swait.ge [sflag:s10], $0x2800  }
0x43: {  	[sflag:s10] =	ssyncset.done $0x0  }
0x44: {  	s15 =	sadd.s32 $0x1, s15;
	[sflag:s10] =	ssyncadd.s32 $0xFFFFD800  }
0x45: {  	s16 =	simm.s32 @!p0 $0x1C02;
	p1 =	sne.s32 s15, s6;
	[bflag:$0x0] =	sbarrier.arrive $0xFFFF  }
0x46: {  	[hbm:s5], [sflag:s16] =	dma.local @!p0 [spmem:s9], $0x27100  }
.Ltmp1:
0x47: {  	_ = 	snop;
	(pc) =	sbr.rel @p1 .LBB2_1-.Ltmp1, $4  }
0x48: {  	s16 =	simm.s32 @!p0 $0x2  }
0x49: {  	_ =	swait.ge @!p0 [sflag:s16], $0x27100  }
0x4a: {  	[sflag:s16] =	ssyncset.done @!p0 $0x0  }
0x4b: {  	[sflag:s16] =	ssyncadd.s32 @!p0 $0xFFFD8F00  }
0x4c: {  	_ =	sfence.sel $0x180000  }
0x4d: {  	[bflag:$0x0] =	sbarrier.arrive $0xFFFF  }
0x4e: {  	_ =	strace $0x9000004D  }
0x4f: {  	s0 =	sadd.s32 @!p0 $0x100000, s0;
	[bflag:$0x2] =	sbarrier.arrive $0xFFFF  }
0x50: {  	[sflag:s0] =	ssyncadd.tile.s32 @!p0 $0x1;
	_ =	shalt  }
.Lfunc_end2:
_tile_overlayer_lowered:
.L_overlay_start_2:
0x51: {  	(tag) =	ssettag $0x2  }
0x52: {  	s0 =	rddreg [dreg:$0x0];
	s2 =	stileid.u32  }
0x53: {  	s1 =	rddreg [dreg:$0x1];
	p0 =	sne.s32 s2, $0x0  }
0x54: {  	s3 =	rddreg [dreg:$0x2];
	[bflag:$0x3] =	sbarrier.arrive $0xFFFF;
	s2 =	simm.s32 @!p0 $0x1C02  }
0x55: {  	[timem:s3], [sflag:s2] =	dma.local @!p0 [hbm:s0], s1  }
0x56: {  	s0 =	simm.s32 @!p0 $0x2  }
0x57: {  	_ =	swait.ge @!p0 [sflag:s0], s1  }
0x58: {  	s1 =	ssub.s32 @!p0 $0x0, s1;
	[sflag:s0] =	ssyncset.done @!p0 $0x0  }
0x59: {  	[sflag:s0] =	ssyncadd.s32 @!p0 s1  }
0x5a: {  	[bflag:$0x3] =	sbarrier.arrive $0xFFFF  }
0x5b: {  	_ =	shalt  }

// kernel: kernel.20.cloned.1.call-start
scs
__scs_entry_jumppad:
0x0: {  	(pc) =	sbr.rel $0x88, $3  }
0x1: {  	(tag) =	ssettag $0x0;
	lr =	simm.s32 $0x1  }
0x2: {  	[smem:$0x3F8D] =	sst lr;
	_ =	strace $0xD0000000  }
0x3: {  	_ = 	snop  }
0x4: {  	_ = 	snop  }
0x5: {  	_ = 	snop  }
0x6: {  	_ = 	snop  }
0x7: {  	_ = 	snop  }
__scs_overlays_trampoline_lowered:
0x8: {  	[smem:$0x3F9C] =	sst s0  }
0x9: {  	[smem:$0x3F9D] =	sst s1  }
0xa: {  	[smem:$0x3F9E] =	sst s2  }
0xb: {  	[smem:$0x3F9F] =	sst s3  }
0xc: {  	[smem:$0x3FA0] =	sst s4  }
0xd: {  	[smem:$0x3FA1] =	sst s5  }
0xe: {  	[smem:$0x3FA2] =	sst s6  }
0xf: {  	[smem:$0x3FA3] =	sst s7  }
0x10: {  	[smem:$0x3FA4] =	sst s8  }
0x11: {  	[smem:$0x3FA5] =	sst s9;
	s0 =	simm.s32 @!p0 $0x0  }
0x12: {  	s1 =	sld [smem:$0x3F8B];
	s0 =	simm.s32 @p0 $0x1  }
0x13: {  	[smem:$0x3FA6] =	sst s0;
	s0 =	simm.s32 @!p1 $0x0  }
0x14: {  	s2 =	sld [smem:$0x3F8A];
	s0 =	simm.s32 @p1 $0x1  }
0x15: {  	[smem:$0x3FA7] =	sst s0;
	s0 =	simm.s32 @!p2 $0x0  }
0x16: {  	s3 =	sld [smem:$0x3FDB];
	s0 =	simm.s32 @p2 $0x1  }
0x17: {  	s4 =	simm.s32 $0x1BF5;
	[smem:$0x3FA9] =	sst s0  }
0x18: {  	s0 =	sld [smem:$0x3F8C];
	_ =	swait.ge [sflag:s4], $0x0  }
0x19: {  	s7 =	sld [smem:$0x3F8D]  }
0x1a: {  	s8 =	sadd.s32 $0xFFFFE003, lr  }
0x1b: {  	s9 =	sadd.s32 $0xFFFFFEF7, lr;
	s5 =	simm.s32 $0xFFFFFFFF;
	p2 =	slt.u32 s8, $0xFFFFF086  }
0x1c: {  	p1 =	slt.u32 s9, $0xF7A;
	s5 =	simm.s32 @!p2 $0x0  }
0x1d: {  	s5 =	simm.s32 @p1 $0x1;
	p0 =	seq.s32 s7, s2  }
0x1e: {  	s7 =	smul.u32 @!p0 $0xF7A, s2;
	p2 =	seq.s32 @!p0 s5, $0x0  }
0x1f: {  	s9 =	smul.u32 $0xF7A, s1;
	s8 =	simm.s32 @!p0 $0x1BF5;
	p2 =	por !p2, p0  }
0x20: {  	[sflag:s8] =	ssyncset.s32 @!p0 $0xFFFFF086;
	s6 =	sadd.s32 @!p0 s3, s7;
	s7 =	simm.s32 @!p0 $0x108  }
0x21: {  	s3 =	sadd.s32 s3, s9;
	s6 =	sadd.s32 @!p0 $0x88, s6;
	s7 =	simm.s32 @p2 $0x1082  }
0x22: {  	[simem:s7], [sflag:s8] =	dma.local @!p0 [hbm:s6], $0xF7A  }
0x23: {  	s9 =	sor.u32 $0xD0000000, s2;
	s6 =	simm.s32 $0x108;
	_ =	swait.ge @!p0 [sflag:s8], $0x0  }
0x24: {  	s3 =	sadd.s32 $0x88, s3;
	s6 =	simm.s32 @!p1 $0x1082;
	[sflag:s4] =	ssyncset.s32 $0xFFFFF086  }
0x25: {  	[simem:s6], [sflag:s4] =	dma.local [hbm:s3], $0xF7A  }
0x26: {  	[smem:$0x3F8D] =	sst s1;
	(tag) =	ssettag s2;
	_ =	strace s9  }
0x27: {  	s1 =	sld [smem:$0x3F9D]  }
0x28: {  	s2 =	sld [smem:$0x3F9E]  }
0x29: {  	s4 =	sld [smem:$0x3FA0]  }
0x2a: {  	p0 =	seq.s32 s5, $0x0;
	s5 =	sld [smem:$0x3FA1]  }
0x2b: {  	s6 =	sld [smem:$0x3FA2]  }
0x2c: {  	s7 =	sld [smem:$0x3FA3]  }
0x2d: {  	s3 =	simm.s32 $0x108;
	s8 =	sld [smem:$0x3FA4]  }
0x2e: {  	s3 =	simm.s32 @!p0 $0x1082;
	s9 =	sld [smem:$0x3FA5]  }
0x2f: {  	lr =	sadd.s32 s0, s3;
	s0 =	sld [smem:$0x3F9C]  }
0x30: {  	s3 =	sld [smem:$0x3F9F]  }
0x31: {  	[smem:$0x3FA8] =	sst s10  }
0x32: {  	s10 =	sld [smem:$0x3FA6];
	_ =	sdelay $0x3  }
0x33: {  	p0 =	seq.s32 s10, $0x1;
	s10 =	sld [smem:$0x3FA8];
	_ =	sdelay $0x3  }
0x34: {  	[smem:$0x3FA8] =	sst s10  }
0x35: {  	s10 =	sld [smem:$0x3FA7];
	_ =	sdelay $0x3  }
0x36: {  	p1 =	seq.s32 s10, $0x1;
	s10 =	sld [smem:$0x3FA8];
	_ =	sdelay $0x3  }
0x37: {  	[smem:$0x3FA8] =	sst s10  }
0x38: {  	s10 =	sld [smem:$0x3FA9]  }
0x39: {  	_ = 	snop;
	(pc) =	sbr.ind lr, $3  }
0x3a: {  	_ = 	snop  }
0x3b: {  	_ = 	snop  }
0x3c: {  	p2 =	seq.s32 s10, $0x1;
	s10 =	sld [smem:$0x3FA8]  }
0x3d: {  	_ =	shalt  }
0x3e: {  	_ =	shalt  }
0x3f: {  	_ =	shalt  }
0x40: {  	_ =	shalt  }
0x41: {  	_ =	shalt  }
0x42: {  	_ =	shalt  }
0x43: {  	_ =	shalt  }
0x44: {  	_ =	shalt  }
0x45: {  	_ =	shalt  }
0x46: {  	_ =	shalt  }
0x47: {  	_ =	shalt  }
0x48: {  	_ =	shalt  }
0x49: {  	_ =	shalt  }
0x4a: {  	_ =	shalt  }
0x4b: {  	_ =	shalt  }
0x4c: {  	_ =	shalt  }
0x4d: {  	_ =	shalt  }
0x4e: {  	_ =	shalt  }
0x4f: {  	_ =	shalt  }
0x50: {  	_ =	shalt  }
0x51: {  	_ =	shalt  }
0x52: {  	_ =	shalt  }
0x53: {  	_ =	shalt  }
0x54: {  	_ =	shalt  }
0x55: {  	_ =	shalt  }
0x56: {  	_ =	shalt  }
0x57: {  	_ =	shalt  }
0x58: {  	_ =	shalt  }
0x59: {  	_ =	shalt  }
0x5a: {  	_ =	shalt  }
0x5b: {  	_ =	shalt  }
0x5c: {  	_ =	shalt  }
0x5d: {  	_ =	shalt  }
0x5e: {  	_ =	shalt  }
0x5f: {  	_ =	shalt  }
0x60: {  	_ =	shalt  }
0x61: {  	_ =	shalt  }
0x62: {  	_ =	shalt  }
0x63: {  	_ =	shalt  }
0x64: {  	_ =	shalt  }
0x65: {  	_ =	shalt  }
0x66: {  	_ =	shalt  }
0x67: {  	_ =	shalt  }
0x68: {  	_ =	shalt  }
0x69: {  	_ =	shalt  }
0x6a: {  	_ =	shalt  }
0x6b: {  	_ =	shalt  }
0x6c: {  	_ =	shalt  }
0x6d: {  	_ =	shalt  }
0x6e: {  	_ =	shalt  }
0x6f: {  	_ =	shalt  }
0x70: {  	_ =	shalt  }
0x71: {  	_ =	shalt  }
0x72: {  	_ =	shalt  }
0x73: {  	_ =	shalt  }
0x74: {  	_ =	shalt  }
0x75: {  	_ =	shalt  }
0x76: {  	_ =	shalt  }
0x77: {  	_ =	shalt  }
0x78: {  	_ =	shalt  }
0x79: {  	_ =	shalt  }
0x7a: {  	_ =	shalt  }
0x7b: {  	_ =	shalt  }
0x7c: {  	_ =	shalt  }
0x7d: {  	_ =	shalt  }
0x7e: {  	_ =	shalt  }
0x7f: {  	_ =	shalt  }
0x80: {  	_ =	shalt  }
0x81: {  	_ =	shalt  }
0x82: {  	_ =	shalt  }
0x83: {  	_ =	shalt  }
0x84: {  	_ =	shalt  }
0x85: {  	_ =	shalt  }
0x86: {  	_ =	shalt  }
0x87: {  	_ =	shalt  }
.Lfunc_end0:
.L_simem_size_0:
called_computation.3_lowered:
.L_overlay_start_0:
0x88: {  	s2 =	sld [smem:$0x3FD9]  }
0x89: {  	s3 =	sld [smem:$0x3FFE];
	_ =	sdelay $0x1  }
0x8a: {  	s1 =	srdreg.scid  }
0x8b: {  	s0 =	sand.u32 $0x1, s1  }
0x8c: {  	s16 =	sshll.u32 s0, $0xA;
	s2 =	sadd.s32 s3, s2  }
0x8d: {  	s2 =	sadd.s32 s2, s16  }
0x8e: {  	[smem:$0x3FB4] =	sst s2  }
0x8f: {  	_ = 	snop  }
0x90: {  	(tm) =	ssettm $0x1  }
0x91: {  	s17 =	sld [smem:$0x3FFB];
	_ =	sdelay $0x3  }
0x92: {  	_ =	strace s17  }
0x93: {  	s2 =	sld [smem:$0x3FFC];
	_ =	sdelay $0x3  }
0x94: {  	_ =	strace s2  }
0x95: {  	s2 =	sld [smem:$0x3FFD];
	_ =	sdelay $0x3  }
0x96: {  	_ =	strace s2  }
0x97: {  	_ =	strace $0x8FFFFFFF  }
0x98: {  	s18 =	sld [smem:$0x3FDB];
	_ =	sdelay $0x1  }
0x99: {  	s19 =	simm.s32 $_scs_section_size  }
0x9a: {  	s4 =	simm.s32 $_size__tile_overlayer_lowered;
	s5 =	simm.s32 $_tile_overlayer_lowered  }
0x9b: {  	s22 =	simm.s32 $0x1BFF;
	s21 =	sshll.u32 s5, $0x1;
	s2 =	sadd.s32 s19, s18  }
0x9c: {  	s6 =	simm.s32 $0x0;
	s20 =	sshll.u32 s4, $0x1;
	s4 =	sadd.s32 s21, s2  }
0x9d: {  	[timem:s6], [sflag:s22] =	dma.local [hbm:s4], s20  }
0x9e: {  	_ =	swait.ge [sflag:s22], s20  }
0x9f: {  	s3 =	ssub.s32 $0x0, s20;
	[sflag:s22] =	ssyncset.done $0x0  }
0xa0: {  	[sflag:s22] =	ssyncadd.s32 s3;
	_ =	sdelay $0x1  }
0xa1: {  	s23 =	simm.s32 $0x1B8B  }
0xa2: {  	_ =	swait.ge [sflag:s23], $0x1  }
0xa3: {  	[sflag:s23] =	ssyncset.done $0x0  }
0xa4: {  	s25 =	simm.s32 $0x1B8E;
	s24 =	sld [smem:$0x3FFE];
	[sflag:s23] =	ssyncadd.s32 $0xFFFFFFFF  }
0xa5: {  	s26 =	simm.s32 $execute0_lowered;
	[smem:$0x3FD2] =	sst s25  }
0xa6: {  	s4 =	sshll.u32 s26, $0x1;
	_ =	strace $0x8000004F;
	[dreg:$0x1] =	wrdreg $0xFFFFFFFF  }
0xa7: {  	s28 =	simm.s32 $_size_execute0_lowered;
	s2 =	sadd.s32 s2, s4;
	[dreg:$0x0] =	wrdreg $0x0  }
0xa8: {  	s4 =	sshll.u32 s28, $0x1;
	[dreg:$0x2] =	wrdreg s2  }
0xa9: {  	[dreg:$0x3] =	wrdreg s4  }
0xaa: {  	[dreg:$0x4] =	wrdreg $0xC0  }
0xab: {  	_ =	task [dreg:s6], $0x5FFFF  }
0xac: {  	[dreg:$0x1] =	wrdreg $0xFFFFFFFF  }
0xad: {  	[dreg:$0x0] =	wrdreg $0x60  }
0xae: {  	[dreg:$0x2] =	wrdreg s24  }
0xaf: {  	[dreg:$0x3] =	wrdreg $0x29000  }
0xb0: {  	[dreg:$0x4] =	wrdreg $0x9  }
0xb1: {  	_ =	task.clear_ibuf [dreg:s6], $0x5FFFF;
	_ =	strace $0x9000004F  }
0xb2: {  	s29 =	simm.s32 $0x9;
	_ =	strace $0x80000051  }
0xb3: {  	_ =	swait.ge [sflag:s29], $0x1  }
0xb4: {  	[sflag:s29] =	ssyncadd.s32 $0xFFFFFFFF  }
0xb5: {  	_ =	strace $0x90000051  }
0xb6: {  	_ =	sfence  }
0xb7: {  	s30 =	sld [smem:$0x0];
	_ =	sdelay $0x2  }
0xb8: {  	s31 =	sshll.u32 s1, $0xD;
	s1 =	sshrl.u32 s1, $0x2  }
0xb9: {  	s3 =	sand.u32 $0x4000, s31;
	s1 =	sadd.s32 s1, s30  }
0xba: {  	s0 =	sor.u32 s3, s0;
	s1 =	sshll.u32 s1, $0x11  }
0xbb: {  	s0 =	sor.u32 s1, s0  }
0xbc: {  	s0 =	sadd.s32 $0x8F2B, s0  }
0xbd: {  	[sflag:s0] =	ssyncadd.remote.s32 $0x1  }
0xbe: {  	_ =	sfence.sel $0xFFFF  }
0xbf: {  	[dreg:$0x0] =	wrdreg $0xFFFFFFFF;
	(pc) =	sbr.abs _section_cstart, $3  }
0xc0: {  	[dreg:$0x1] =	wrdreg $0xFFFFFFFF  }
0xc1: {  	_ =	task.clear_ibuf [dreg:s6], $0x2FFFF;
	_ =	strace $0x9FFFFFFF  }
0xc2: {  	(tm) =	ssettm $0x7FFFFFFF  }
0xc3: {  	_ =	shalt  }
tec
execute0_lowered:
.L_overlay_start_1:
0x0: {  	(tag) =	ssettag $0x1  }
0x1: {  	s5 =	rddreg [dreg:$0x0]  }
0x2: {  	s0 =	srdreg.scid;
	s7 =	stileid.u32  }
0x3: {  	s1 =	rddreg [dreg:$0x1];
	s2 =	simm.s32 $0x0;
	s11 =	simm.s32 $0x80  }
0x4: {  	s12 =	simm.s32 $0x50;
	s13 =	simm.s32 $0x100;
	s14 =	simm.s32 $0x1  }
0x5: {  	s3 =	sand.u32 $0x1, s0;
	s4 =	smul.u32 $0x4E20, s7;
	s0 =	rddreg [dreg:$0x2]  }
0x6: {  	s15 =	simm.s32 $0x0;
	[smem:$0x7FF] =	sst s2;
	s6 =	smul.u32 $0x2710, s3  }
0x7: {  	p0 =	sne.s32 s7, $0x0;
	_ =	strace $0x80000050;
	s8 =	ssub.s32 $0x2, s3  }
0x8: {  	s30 =	smul.u32 $0x27100, s3;
	s10 =	sshrl.u32 s8, $0x1;
	s4 =	sadd.s32 s6, s4  }
0x9: {  	s3 =	sadd.s32 $0x40E00, s5;
	s31 =	ssub.s32 s8, s10;
	s4 =	sshrl.u32 s4, $0x3  }
0xa: {  	s9 =	sadd.s32 s4, s5;
	s4 =	sadd.s32 $0x19C00, s5;
	s5 =	sadd.s32 s30, s5  }
0xb: {  	s10 =	simm.s32 $0x2;
	s6 =	smax.u32 s31, $0x1;
	s5 =	sadd.s32 $0x8F200, s5  }
0xc: {  	s7 =	sadd.s32 $0xFE00, s9;
	s8 =	sadd.s32 $0x6000, s9;
	s9 =	sshrl.u32 @!p0 s1, $0x3  }
.LBB2_1:
0xd: {  	s16 =	simm.s32 @!p0 $0x1C02  }
0xe: {  	[spmem:s9], [sflag:s16] =	dma.local @!p0 [hbm:s4], $0x27100  }
0xf: {  	s16 =	simm.s32 @!p0 $0x2  }
0x10: {  	_ =	swait.ge @!p0 [sflag:s16], $0x27100  }
0x11: {  	[sflag:s16] =	ssyncset.done @!p0 $0x0  }
0x12: {  	[sflag:s16] =	ssyncadd.s32 @!p0 $0xFFFD8F00  }
0x13: {  	s30 =	sadd.s32 $0x0, s8;
	[bflag:$0x0] =	sbarrier.arrive $0xFFFF  }
0x14: {  	[tilespmem:s2], [sflag:$0x2] =	stream.linear.gather [hbm4b:s30+s2], $0x50, $0x38;
	[tilespmem:$0x16180] =	vst v63  }
0x15: {  	_ =	swait.ge [sflag:s10], $0x50  }
0x16: {  	[sflag:s10] =	ssyncset.done $0x0  }
0x17: {  	s31 =	sadd.s32 $0x0, s7;
	[sflag:s10] =	ssyncadd.s32 $0xFFFFFFB0  }
0x18: {  	[tilespmem:s11], [sflag:$0x2] =	stream.linear.gather [hbm4b:s31+s2], $0x50, $0x38;
	[tilespmem:$0x16180] =	vst v63  }
0x19: {  	_ =	swait.ge [sflag:s10], $0x50  }
0x1a: {  	[sflag:s10] =	ssyncset.done $0x0  }
0x1b: {  	[sflag:s10] =	ssyncadd.s32 $0xFFFFFFB0  }
0x1c: {  	[tilespmem:s13], [sflag:$0x1] =	stream.indirect.gather [hbm4b:s3+s12], $0x80, s2, s12, $0xb8;
	[tilespmem:$0x16180] =	vst v63  }
0x1d: {  	_ =	swait.ge [sflag:s14], $0x2800  }
0x1e: {  	[sflag:s14] =	ssyncset.done $0x0  }
0x1f: {  	[sflag:s14] =	ssyncadd.s32 $0xFFFFD800  }
0x20: {  	[spmem:s1] =	stream.indirect.scatter.add.f32 [tilespmem:s13], [sflag:$0x2], $0x80, s11, s12, $0xb8;
	[tilespmem:$0x16180] =	vst v63  }
0x21: {  	_ =	swait.ge [sflag:s10], $0x2800  }
0x22: {  	s17 =	simm.s32 $0x14;
	s16 =	simm.s32 $0xA;
	[sflag:s10] =	ssyncset.done $0x0  }
.LBB2_2:
0x23: {  	s18 =	sadd.s32 s16, s8  }
0x24: {  	[sflag:s10] =	ssyncadd.s32 $0xFFFFD800;
	s19 =	smov.u32 s17;
	s20 =	sadd.s32 $0xA, s17  }
0x25: {  	[tilespmem:s2], [sflag:$0x2] =	stream.linear.gather [hbm4b:s18+s2], $0x50, $0x38;
	[tilespmem:$0x16180] =	vst v63  }
0x26: {  	p1 =	sne.s32 s17, $0x4D8;
	_ =	swait.ge [sflag:s10], $0x50  }
0x27: {  	[sflag:s10] =	ssyncset.done $0x0  }
0x28: {  	s17 =	sadd.s32 s16, s7;
	s16 =	smov.u32 s19;
	[sflag:s10] =	ssyncadd.s32 $0xFFFFFFB0  }
0x29: {  	[tilespmem:s11], [sflag:$0x2] =	stream.linear.gather [hbm4b:s17+s2], $0x50, $0x38;
	[tilespmem:$0x16180] =	vst v63  }
0x2a: {  	_ =	swait.ge [sflag:s10], $0x50  }
0x2b: {  	[sflag:s10] =	ssyncset.done $0x0  }
0x2c: {  	[sflag:s10] =	ssyncadd.s32 $0xFFFFFFB0  }
0x2d: {  	[tilespmem:s13], [sflag:$0x1] =	stream.indirect.gather [hbm4b:s3+s12], $0x80, s2, s12, $0xb8;
	[tilespmem:$0x16180] =	vst v63  }
0x2e: {  	_ =	swait.ge [sflag:s14], $0x2800  }
.Ltmp0:
0x2f: {  	[sflag:s14] =	ssyncset.done $0x0;
	(pc) =	sbr.rel @p1 .LBB2_2-.Ltmp0, $4  }
0x30: {  	[sflag:s14] =	ssyncadd.s32 $0xFFFFD800  }
0x31: {  	[spmem:s1] =	stream.indirect.scatter.add.f32 [tilespmem:s13], [sflag:$0x2], $0x80, s11, s12, $0xb8;
	[tilespmem:$0x16180] =	vst v63  }
0x32: {  	_ =	swait.ge [sflag:s10], $0x2800  }
0x33: {  	s17 =	smov.u32 s20;
	[sflag:s10] =	ssyncset.done $0x0  }
0x34: {  	s17 =	sadd.s32 s16, s8;
	[sflag:s10] =	ssyncadd.s32 $0xFFFFD800  }
0x35: {  	[tilespmem:s2], [sflag:$0x2] =	stream.linear.gather [hbm4b:s17+s2], $0x50, $0x38;
	[tilespmem:$0x16180] =	vst v63  }
0x36: {  	_ =	swait.ge [sflag:s10], $0x50  }
0x37: {  	[sflag:s10] =	ssyncset.done $0x0  }
0x38: {  	s31 =	sadd.s32 s16, s7;
	[sflag:s10] =	ssyncadd.s32 $0xFFFFFFB0  }
0x39: {  	[tilespmem:s11], [sflag:$0x2] =	stream.linear.gather [hbm4b:s31+s2], $0x50, $0x38;
	[tilespmem:$0x16180] =	vst v63  }
0x3a: {  	_ =	swait.ge [sflag:s10], $0x50  }
0x3b: {  	[sflag:s10] =	ssyncset.done $0x0  }
0x3c: {  	[sflag:s10] =	ssyncadd.s32 $0xFFFFFFB0  }
0x3d: {  	[tilespmem:s13], [sflag:$0x1] =	stream.indirect.gather [hbm4b:s3+s12], $0x80, s2, s12, $0xb8;
	[tilespmem:$0x16180] =	vst v63  }
0x3e: {  	_ =	swait.ge [sflag:s14], $0x2800  }
0x3f: {  	[sflag:s14] =	ssyncset.done $0x0  }
0x40: {  	[sflag:s14] =	ssyncadd.s32 $0xFFFFD800  }
0x41: {  	[spmem:s1] =	stream.indirect.scatter.add.f32 [tilespmem:s13], [sflag:$0x2], $0x80, s11, s12, $0xb8;
	[tilespmem:$0x16180] =	vst v63  }
0x42: {  	_ =	swait.ge [sflag:s10], $0x2800  }
0x43: {  	[sflag:s10] =	ssyncset.done $0x0  }
0x44: {  	s15 =	sadd.s32 $0x1, s15;
	[sflag:s10] =	ssyncadd.s32 $0xFFFFD800  }
0x45: {  	s16 =	simm.s32 @!p0 $0x1C02;
	p1 =	sne.s32 s15, s6;
	[bflag:$0x0] =	sbarrier.arrive $0xFFFF  }
0x46: {  	[hbm:s5], [sflag:s16] =	dma.local @!p0 [spmem:s9], $0x27100  }
.Ltmp1:
0x47: {  	_ = 	snop;
	(pc) =	sbr.rel @p1 .LBB2_1-.Ltmp1, $4  }
0x48: {  	s16 =	simm.s32 @!p0 $0x2  }
0x49: {  	_ =	swait.ge @!p0 [sflag:s16], $0x27100  }
0x4a: {  	[sflag:s16] =	ssyncset.done @!p0 $0x0  }
0x4b: {  	[sflag:s16] =	ssyncadd.s32 @!p0 $0xFFFD8F00  }
0x4c: {  	_ =	sfence.sel $0x180000  }
0x4d: {  	[bflag:$0x0] =	sbarrier.arrive $0xFFFF  }
0x4e: {  	_ =	strace $0x90000050  }
0x4f: {  	s0 =	sadd.s32 @!p0 $0x100000, s0;
	[bflag:$0x2] =	sbarrier.arrive $0xFFFF  }
0x50: {  	[sflag:s0] =	ssyncadd.tile.s32 @!p0 $0x1;
	_ =	shalt  }
.Lfunc_end2:
_tile_overlayer_lowered:
.L_overlay_start_2:
0x51: {  	(tag) =	ssettag $0x2  }
0x52: {  	s0 =	rddreg [dreg:$0x0];
	s2 =	stileid.u32  }
0x53: {  	s1 =	rddreg [dreg:$0x1];
	p0 =	sne.s32 s2, $0x0  }
0x54: {  	s3 =	rddreg [dreg:$0x2];
	[bflag:$0x3] =	sbarrier.arrive $0xFFFF;
	s2 =	simm.s32 @!p0 $0x1C02  }
0x55: {  	[timem:s3], [sflag:s2] =	dma.local @!p0 [hbm:s0], s1  }
0x56: {  	s0 =	simm.s32 @!p0 $0x2  }
0x57: {  	_ =	swait.ge @!p0 [sflag:s0], s1  }
0x58: {  	s1 =	ssub.s32 @!p0 $0x0, s1;
	[sflag:s0] =	ssyncset.done @!p0 $0x0  }
0x59: {  	[sflag:s0] =	ssyncadd.s32 @!p0 s1  }
0x5a: {  	[bflag:$0x3] =	sbarrier.arrive $0xFFFF  }
0x5b: {  	_ =	shalt  }

</sc_bundles>
